<compile_context>
chip_gen: v7x
topology: tpu7x:2x2x1
jax: 0.10.2.dev20260603
libtpu: 0.0.44.dev20260713+nightly
codegen_flags: <defaults>
</compile_context>

<pallas_src>
import functools

import jax
import jax.numpy as jnp
from jax import lax
from jax.experimental import pallas as pl
from jax.experimental.pallas import tpu as pltpu
from jax.experimental.pallas import tpu_sc as plsc

N_CAT_FIELDS = 26
N_NUM_FIELDS = 13
CPAD = 32
NPAD = 16
VOCAB = 100000
N_QUANTILES = 100
EMB_DIM = 32
N_CAT_PER_FIELD = VOCAB + 1
N_EMB_CAT = N_CAT_FIELDS * N_CAT_PER_FIELD
N_EMB_NUM = (N_QUANTILES + 2) * N_NUM_FIELDS
OUT_FIELDS = N_CAT_FIELDS + N_NUM_FIELDS
ROW_W = OUT_FIELDS * EMB_DIM
N_ROWS = 1 + N_EMB_CAT
TAIL0 = (N_ROWS - 11) // 8 * 8
TAIL_N = 16
NTAIL0 = (N_EMB_NUM - 15) // 8 * 8
NTAIL_N = 24

NC, NS, L = 2, 16, 16
NW = NC * NS
BC = 2


def _sc_embed(xc_flat, xn_flat, mk_flat, cb16, nb16, tab, numtab, tailflat,
              ntailflat, dmyc, dmyn, batch):
    bw = batch // NW
    n_chunks = bw // BC
    ncat = BC * N_CAT_FIELDS
    nnum = BC * N_NUM_FIELDS
    ncp = BC * CPAD
    nnp = BC * NPAD
    ish = ncp + 3 * nnp

    mesh = plsc.VectorSubcoreMesh(core_axis_name="c", subcore_axis_name="s")

    @functools.partial(
        pl.kernel,
        out_type=jax.ShapeDtypeStruct((batch * ROW_W,), jnp.float32),
        mesh=mesh,
        scratch_types=[
            pltpu.VMEM((2 * ish,), jnp.int32),
            pltpu.VMEM((bw * CPAD,), jnp.int32),
            pltpu.VMEM((bw * NPAD,), jnp.float32),
            pltpu.VMEM((bw * NPAD,), jnp.int32),
            pltpu.VMEM((ncat, 8, EMB_DIM), jnp.float32),
            pltpu.VMEM((nnum, 16, EMB_DIM), jnp.float32),
            pltpu.VMEM((TAIL_N * EMB_DIM,), jnp.float32),
            pltpu.VMEM((NTAIL_N * EMB_DIM,), jnp.float32),
            pltpu.VMEM((BC * ROW_W,), jnp.float32),
            pltpu.VMEM((L,), jnp.int32),
            pltpu.VMEM((L,), jnp.int32),
            pltpu.VMEM_SHARED((NS * (BC * CPAD + 3 * BC * NPAD),),
                              jnp.int32),
            pltpu.SMEM((2 * ish,), jnp.int32),
            pltpu.SemaphoreType.DMA,
            pltpu.SemaphoreType.DMA,
        ],
        compiler_params=pltpu.CompilerParams(
            needs_layout_passes=False, use_tc_tiling_on_sc=True),
    )
    def body(xc_hbm, xn_hbm, mk_hbm, cb_hbm, nb_hbm, tab_hbm, num_hbm,
             tail_hbm, ntail_hbm, dmyc_hbm, dmyn_hbm, out_hbm, idx_v, xc_v,
             xn_v, mk_v, colbufs, nbufs, tailv, ntailv,
             abuf, cb_v, nb_v, sh_i, idx_sm, semc, semn):
        sid = lax.axis_index("s")
        wid = sid * NC + lax.axis_index("c")
        ibase = sid * ish
        pltpu.sync_copy(cb_hbm, cb_v)
        pltpu.sync_copy(nb_hbm, nb_v)
        pltpu.sync_copy(tail_hbm, tailv)
        pltpu.sync_copy(ntail_hbm, ntailv)
        pltpu.sync_copy(xc_hbm.at[pl.ds(wid * bw * CPAD, bw * CPAD)], xc_v)
        pltpu.sync_copy(xn_hbm.at[pl.ds(wid * bw * NPAD, bw * NPAD)], xn_v)
        pltpu.sync_copy(mk_hbm.at[pl.ds(wid * bw * NPAD, bw * NPAD)], mk_v)
        cb = cb_v[...]
        nb = nb_v[...]
        lanes = lax.iota(jnp.int32, L)

        def build_idx(cc, bo):
            coff = cc * ncp
            noff = cc * nnp
            for g in range(ncp // L):
                fld = lax.rem(g * L + lanes, CPAD)
                idx_v[pl.ds(bo + g * L, L)] = (xc_v[pl.ds(coff + g * L, L)]
                                               + fld * N_CAT_PER_FIELD + cb)
            for g in range(nnp // L):
                x16 = xn_v[pl.ds(noff + g * L, L)]
                x16 = jnp.minimum(jnp.maximum(x16, jnp.float32(1e-6)),
                                  jnp.float32(1.0 - 1e-6))
                xs = x16 * jnp.float32(N_QUANTILES)
                il = xs.astype(jnp.int32)
                m16 = mk_v[pl.ds(noff + g * L, L)]
                fld = lax.rem(g * L + lanes, NPAD)
                idx_v[pl.ds(bo + ncp + g * L, L)] = (
                    (il + 1) * m16 + fld * (N_QUANTILES + 2) + nb)
                idx_v[pl.ds(bo + ncp + nnp + g * L, L)] = m16
                idx_v[pl.ds(bo + ncp + 2 * nnp + g * L, L)] = plsc.bitcast(
                    xs - il.astype(jnp.float32), jnp.int32)
            pltpu.sync_copy(idx_v.at[pl.ds(bo, ish)],
                            sh_i.at[pl.ds(ibase, ish)])
            pltpu.sync_copy(sh_i.at[pl.ds(ibase, ish)],
                            idx_sm.at[pl.ds(bo, ish)])

        build_idx(0, 0)

        def chunk(c, _):
            b0 = wid * bw + c * BC
            bo = lax.rem(c, 2) * ish
            bn = lax.rem(c + 1, 2) * ish

            def fire_cat(j, fp):
                f, pos = fp
                r = idx_sm[bo + pos]
                base = jnp.where(r < TAIL0, (r // 8) * 8, 0)
                pltpu.async_copy(tab_hbm.at[pl.ds(base, 8), :],
                                 colbufs.at[j], semc)
                wrap = f == N_CAT_FIELDS - 1
                return (jnp.where(wrap, 0, f + 1),
                        jnp.where(wrap, pos + CPAD - N_CAT_FIELDS + 1,
                                  pos + 1))

            lax.fori_loop(0, ncat, fire_cat, (0, 0))

            def fire_num(k, fp):
                f, pos = fp
                q = idx_sm[bo + ncp + pos]
                base = jnp.where(q < NTAIL0, (q // 8) * 8, 0)
                pltpu.async_copy(num_hbm.at[pl.ds(base, 16), :],
                                 nbufs.at[k], semn)
                wrap = f == N_NUM_FIELDS - 1
                return (jnp.where(wrap, 0, f + 1),
                        jnp.where(wrap, pos + NPAD - N_NUM_FIELDS + 1,
                                  pos + 1))

            lax.fori_loop(0, nnum, fire_num, (0, 0))

            @pl.when(c + 1 < n_chunks)
            def _build_next():
                build_idx(c + 1, bn)

            pltpu.make_async_copy(dmyc_hbm, colbufs, semc).wait()

            def extract_cat(j, st):
                f, pos, base = st
                r = idx_sm[bo + pos]
                main = r < TAIL0
                jf = jnp.full((L,), j, jnp.int32)
                rowf = jnp.full((L,), r & 7, jnp.int32)
                toff = jnp.maximum(r - TAIL0, 0) * EMB_DIM
                for g in range(EMB_DIM // L):
                    vm = plsc.load_gather(colbufs, [jf, rowf, g * L + lanes])
                    vt = plsc.load_gather(tailv, [toff + g * L + lanes])
                    abuf[pl.ds(base + g * L, L)] = jnp.where(main, vm, vt)
                wrap = f == N_CAT_FIELDS - 1
                return (jnp.where(wrap, 0, f + 1),
                        jnp.where(wrap, pos + CPAD - N_CAT_FIELDS + 1,
                                  pos + 1),
                        jnp.where(wrap, base + EMB_DIM * (N_NUM_FIELDS + 1),
                                  base + EMB_DIM))

            lax.fori_loop(0, ncat, extract_cat, (0, 0, 0))

            pltpu.make_async_copy(dmyn_hbm, nbufs, semn).wait()

            def interp_num(k, st):
                f, pos, base = st
                q = idx_sm[bo + ncp + pos]
                m = idx_sm[bo + ncp + nnp + pos]
                fr = lax.bitcast_convert_type(
                    idx_sm[bo + ncp + 2 * nnp + pos], jnp.float32)
                main = q < NTAIL0
                wbase = jnp.where(main, (q // 8) * 8, 0)
                kf = jnp.full((L,), k, jnp.int32)
                rl = jnp.full((L,), jnp.minimum(q - wbase, 15), jnp.int32)
                rh = jnp.full((L,), jnp.minimum(q - wbase + m, 15), jnp.int32)
                tl = jnp.maximum(q - NTAIL0, 0) * EMB_DIM
                th = jnp.maximum(q + m - NTAIL0, 0) * EMB_DIM
                for g in range(EMB_DIM // L):
                    vml = plsc.load_gather(nbufs, [kf, rl, g * L + lanes])
                    vmh = plsc.load_gather(nbufs, [kf, rh, g * L + lanes])
                    vtl = plsc.load_gather(ntailv, [tl + g * L + lanes])
                    vth = plsc.load_gather(ntailv, [th + g * L + lanes])
                    vl = jnp.where(main, vml, vtl)
                    vh = jnp.where(main, vmh, vth)
                    abuf[pl.ds(base + g * L, L)] = vl + fr * (vh - vl)
                wrap = f == N_NUM_FIELDS - 1
                return (jnp.where(wrap, 0, f + 1),
                        jnp.where(wrap, pos + NPAD - N_NUM_FIELDS + 1,
                                  pos + 1),
                        jnp.where(wrap, base + EMB_DIM * (N_CAT_FIELDS + 1),
                                  base + EMB_DIM))

            lax.fori_loop(0, nnum, interp_num,
                          (0, 0, N_CAT_FIELDS * EMB_DIM))
            pltpu.sync_copy(abuf, out_hbm.at[pl.ds(b0 * ROW_W, BC * ROW_W)])
            return _

        lax.fori_loop(0, n_chunks, chunk, 0)

    return body(xc_flat, xn_flat, mk_flat, cb16, nb16, tab, numtab,
                tailflat, ntailflat, dmyc, dmyn)


def kernel(x_cat, x_num, mask, rand_table, emb_cat_table, emb_num_table):
    batch = x_cat.shape[0]
    rt = jnp.asarray(rand_table, jnp.int32)
    cb16 = jnp.full((L,), 1, jnp.int32) + rt * N_EMB_CAT
    nb16 = jnp.full((L,), 0, jnp.int32) + rt * N_EMB_NUM
    xc_pad = jnp.pad(x_cat, ((0, 0), (0, CPAD - N_CAT_FIELDS))).reshape(-1)
    xn_pad = jnp.pad(x_num, ((0, 0), (0, NPAD - N_NUM_FIELDS))).reshape(-1)
    mk_pad = jnp.pad(mask, ((0, 0), (0, NPAD - N_NUM_FIELDS))).reshape(-1)
    tailflat = jnp.pad(emb_cat_table[TAIL0:],
                       ((0, TAIL_N - (N_ROWS - TAIL0)), (0, 0))).reshape(-1)
    ntailflat = jnp.pad(emb_num_table[NTAIL0:],
                        ((0, NTAIL_N - (N_EMB_NUM - NTAIL0)), (0, 0))
                        ).reshape(-1)
    dmyc = jnp.zeros((BC * N_CAT_FIELDS, 8, EMB_DIM), jnp.float32)
    dmyn = jnp.zeros((BC * N_NUM_FIELDS, 16, EMB_DIM), jnp.float32)
    out = _sc_embed(
        xc_pad, xn_pad, mk_pad, cb16, nb16, emb_cat_table, emb_num_table,
        tailflat, ntailflat, dmyc, dmyn, batch)
    return out.reshape(batch, OUT_FIELDS, EMB_DIM)

# --- scband reference (transcript-rebuilt; emitter-appended) ---
"""Pipeline reference for scband-better-embedding-73083163509281 (READ-ONLY COPY).

The authoritative reference and input builder live on the scoring server;
editing this copy changes nothing except your own understanding.
"""

import jax, jax.numpy as jnp
import numpy as np

N_CAT_FIELDS = 26
N_NUM_FIELDS = 13
VOCAB = 100000
N_QUANTILES = 100
EMB_DIM = 32
N_TABLES = 1
N_CAT_PER_FIELD = VOCAB + 1
N_EMB_CAT = N_CAT_FIELDS * N_CAT_PER_FIELD
N_EMB_NUM = (N_QUANTILES + 2) * N_NUM_FIELDS
BATCH = 4096


def setup_inputs(seed: int = 0):
    key = jax.random.key(seed)
    k1, k2, k3, k4 = jax.random.split(key, 4)
    x_cat = jax.random.randint(k1, (BATCH, N_CAT_FIELDS), 0, VOCAB, dtype=jnp.int32)
    x_num = jax.random.uniform(k2, (BATCH, N_NUM_FIELDS), dtype=jnp.float32)
    mask = jnp.ones((BATCH, N_NUM_FIELDS), dtype=jnp.int32)
    rand_table = 0
    emb_cat_table = jax.random.normal(k3, (1 + N_EMB_CAT * N_TABLES, EMB_DIM), dtype=jnp.float32) * 0.01
    emb_num_table = jax.random.normal(k4, (N_EMB_NUM * N_TABLES, EMB_DIM), dtype=jnp.float32) * 0.01
    return {"x_cat": x_cat, "x_num": x_num, "mask": mask, "rand_table": rand_table,
            "emb_cat_table": emb_cat_table, "emb_num_table": emb_num_table}


def reference(x_cat, x_num, mask, rand_table, emb_cat_table, emb_num_table):
    # categorical branch: offset lookup into big table (emb_cat with 1 + n_emb*n_tables rows)
    cat_offset = (jnp.arange(N_CAT_FIELDS, dtype=jnp.int32) * N_CAT_PER_FIELD)[None, :]
    idx_cat = 1 + x_cat + cat_offset + N_EMB_CAT * rand_table
    e_cat = jnp.take(emb_cat_table, idx_cat, axis=0)  # [B, 26, D]
    # numerical branch: SplineEmbedding.forward
    nq = float(N_QUANTILES)
    th = 1e-06
    x = jnp.clip(x_num, th, 1.0 - th)
    ind_offset = ((N_QUANTILES + 2) * jnp.arange(N_NUM_FIELDS, dtype=jnp.int32))[None, :]
    offset = ind_offset + N_EMB_NUM * rand_table
    xli = jnp.floor(x * nq).astype(jnp.int32)
    xl = xli / nq
    xhi = jnp.floor(x * nq + 1.0).astype(jnp.int32)
    xh = xhi / nq
    bl = jnp.take(emb_num_table, (xli + 1) * mask + offset, axis=0)
    bh = jnp.take(emb_num_table, (xhi + 1) * mask + offset, axis=0)
    delta = 1.0 / nq
    h = bh / delta * (x - xl)[..., None] + bl / delta * (xh - x)[..., None]  # [B, 13, D]
    return jnp.concatenate([e_cat, h], axis=1)  # [B, 39, D]

if __name__ == "__main__":
    import jax
    _d = setup_inputs()
    print(jax.jit(kernel)(*tuple(_d.values())))

</pallas_src>

<mosaic_0001>
#map = affine_map<(d0, d1) -> (0)>
#map1 = affine_map<(d0, d1) -> (0, 0)>
#map2 = affine_map<(d0, d1) -> (0, 0, 0)>
module attributes {stable_mosaic.version = 14 : i64} {
  func.func @body(%arg0: i32, %arg1: i32, %arg2: memref<131072xi32, #tpu.memory_space<hbm>>, %arg3: memref<65536xf32, #tpu.memory_space<hbm>>, %arg4: memref<65536xi32, #tpu.memory_space<hbm>>, %arg5: memref<16xi32, #tpu.memory_space<hbm>>, %arg6: memref<16xi32, #tpu.memory_space<hbm>>, %arg7: memref<2600027x32xf32, #tpu.memory_space<hbm>>, %arg8: memref<1326x32xf32, #tpu.memory_space<hbm>>, %arg9: memref<512xf32, #tpu.memory_space<hbm>>, %arg10: memref<768xf32, #tpu.memory_space<hbm>>, %arg11: memref<52x8x32xf32, #tpu.memory_space<hbm>>, %arg12: memref<26x16x32xf32, #tpu.memory_space<hbm>>, %arg13: memref<5111808xf32, #tpu.memory_space<hbm>>, %arg14: memref<320xi32, #tpu.memory_space<vmem>>, %arg15: memref<4096xi32, #tpu.memory_space<vmem>>, %arg16: memref<2048xf32, #tpu.memory_space<vmem>>, %arg17: memref<2048xi32, #tpu.memory_space<vmem>>, %arg18: memref<52x8x32xf32, #tpu.memory_space<vmem>>, %arg19: memref<26x16x32xf32, #tpu.memory_space<vmem>>, %arg20: memref<512xf32, #tpu.memory_space<vmem>>, %arg21: memref<768xf32, #tpu.memory_space<vmem>>, %arg22: memref<2496xf32, #tpu.memory_space<vmem>>, %arg23: memref<16xi32, #tpu.memory_space<vmem>>, %arg24: memref<16xi32, #tpu.memory_space<vmem>>, %arg25: memref<2560xi32, #tpu.memory_space<vmem_shared>>, %arg26: memref<320xi32, #tpu.memory_space<smem>>, %arg27: memref<!tpu.dma_semaphore, #tpu.memory_space<semaphore_mem>>, %arg28: memref<!tpu.dma_semaphore, #tpu.memory_space<semaphore_mem>>) attributes {dimension_semantics = [#tpu.dimension_semantics<core_parallel>, #tpu.dimension_semantics<subcore_parallel>], iteration_bounds = array<i64: 2, 16>, scalar_prefetch = 0 : i64, scratch_operands = 15 : i64, tpu.core_type = #tpu.core_type<sc_vector_subcore>, window_params = [{transform_indices = #map}, {transform_indices = #map}, {transform_indices = #map}, {transform_indices = #map}, {transform_indices = #map}, {transform_indices = #map1}, {transform_indices = #map1}, {transform_indices = #map}, {transform_indices = #map}, {transform_indices = #map2}, {transform_indices = #map2}, {transform_indices = #map}]} {
    %mul3A = arith.constant 2 : i32
    %mul3A_0 = arith.muli %arg1, %mul3A : i32
    %add3A = arith.addi %mul3A_0, %arg0 : i32
    %mul3A_1 = arith.constant 160 : i32
    %mul3A_2 = arith.muli %arg1, %mul3A_1 : i32
    "tpu.region"() ({
      %run_scoped3A = tpu.sem_alloc : memref<!tpu.dma_semaphore, #tpu.memory_space<semaphore_mem>>
      tpu.enqueue_dma source(%arg5 : memref<16xi32, #tpu.memory_space<hbm>>) target(%arg23 : memref<16xi32, #tpu.memory_space<vmem>>) target_semaphore(%run_scoped3A : memref<!tpu.dma_semaphore, #tpu.memory_space<semaphore_mem>>)
      tpu.wait_dma2 semaphore(%run_scoped3A : memref<!tpu.dma_semaphore, #tpu.memory_space<semaphore_mem>>) src(%arg5 : memref<16xi32, #tpu.memory_space<hbm>>) dst(%arg23 : memref<16xi32, #tpu.memory_space<vmem>>)
      tpu.yield
    }) : () -> ()
    "tpu.region"() ({
      %run_scoped3A = tpu.sem_alloc : memref<!tpu.dma_semaphore, #tpu.memory_space<semaphore_mem>>
      tpu.enqueue_dma source(%arg6 : memref<16xi32, #tpu.memory_space<hbm>>) target(%arg24 : memref<16xi32, #tpu.memory_space<vmem>>) target_semaphore(%run_scoped3A : memref<!tpu.dma_semaphore, #tpu.memory_space<semaphore_mem>>)
      tpu.wait_dma2 semaphore(%run_scoped3A : memref<!tpu.dma_semaphore, #tpu.memory_space<semaphore_mem>>) src(%arg6 : memref<16xi32, #tpu.memory_space<hbm>>) dst(%arg24 : memref<16xi32, #tpu.memory_space<vmem>>)
      tpu.yield
    }) : () -> ()
    "tpu.region"() ({
      %run_scoped3A = tpu.sem_alloc : memref<!tpu.dma_semaphore, #tpu.memory_space<semaphore_mem>>
      tpu.enqueue_dma source(%arg9 : memref<512xf32, #tpu.memory_space<hbm>>) target(%arg20 : memref<512xf32, #tpu.memory_space<vmem>>) target_semaphore(%run_scoped3A : memref<!tpu.dma_semaphore, #tpu.memory_space<semaphore_mem>>)
      tpu.wait_dma2 semaphore(%run_scoped3A : memref<!tpu.dma_semaphore, #tpu.memory_space<semaphore_mem>>) src(%arg9 : memref<512xf32, #tpu.memory_space<hbm>>) dst(%arg20 : memref<512xf32, #tpu.memory_space<vmem>>)
      tpu.yield
    }) : () -> ()
    "tpu.region"() ({
      %run_scoped3A = tpu.sem_alloc : memref<!tpu.dma_semaphore, #tpu.memory_space<semaphore_mem>>
      tpu.enqueue_dma source(%arg10 : memref<768xf32, #tpu.memory_space<hbm>>) target(%arg21 : memref<768xf32, #tpu.memory_space<vmem>>) target_semaphore(%run_scoped3A : memref<!tpu.dma_semaphore, #tpu.memory_space<semaphore_mem>>)
      tpu.wait_dma2 semaphore(%run_scoped3A : memref<!tpu.dma_semaphore, #tpu.memory_space<semaphore_mem>>) src(%arg10 : memref<768xf32, #tpu.memory_space<hbm>>) dst(%arg21 : memref<768xf32, #tpu.memory_space<vmem>>)
      tpu.yield
    }) : () -> ()
    %mul3A_3 = arith.constant 128 : i32
    %mul3A_4 = arith.muli %add3A, %mul3A_3 : i32
    %mul3A_5 = arith.constant 32 : i32
    %mul3A_6 = arith.muli %mul3A_4, %mul3A_5 : i32
    "tpu.region"() ({
      %run_scoped3A = tpu.sem_alloc : memref<!tpu.dma_semaphore, #tpu.memory_space<semaphore_mem>>
      %dma_start3A = tpu.memref_slice %arg2[%mul3A_6] : memref<131072xi32, #tpu.memory_space<hbm>> -> memref<4096xi32, #tpu.memory_space<hbm>>
      %dma_start3A_152 = tpu.memref_slice %arg2[%mul3A_6] : memref<131072xi32, #tpu.memory_space<hbm>> -> memref<4096xi32, #tpu.memory_space<hbm>>
      tpu.enqueue_dma source(%dma_start3A_152 : memref<4096xi32, #tpu.memory_space<hbm>>) target(%arg15 : memref<4096xi32, #tpu.memory_space<vmem>>) target_semaphore(%run_scoped3A : memref<!tpu.dma_semaphore, #tpu.memory_space<semaphore_mem>>)
      %dma_wait3A = tpu.memref_slice %arg2[%mul3A_6] : memref<131072xi32, #tpu.memory_space<hbm>> -> memref<4096xi32, #tpu.memory_space<hbm>>
      %dma_wait3A_153 = tpu.memref_slice %arg2[%mul3A_6] : memref<131072xi32, #tpu.memory_space<hbm>> -> memref<4096xi32, #tpu.memory_space<hbm>>
      tpu.wait_dma2 semaphore(%run_scoped3A : memref<!tpu.dma_semaphore, #tpu.memory_space<semaphore_mem>>) src(%dma_wait3A_153 : memref<4096xi32, #tpu.memory_space<hbm>>) dst(%arg15 : memref<4096xi32, #tpu.memory_space<vmem>>)
      tpu.yield
    }) : () -> ()
    %mul3A_7 = arith.constant 128 : i32
    %mul3A_8 = arith.muli %add3A, %mul3A_7 : i32
    %mul3A_9 = arith.constant 16 : i32
    %mul3A_10 = arith.muli %mul3A_8, %mul3A_9 : i32
    "tpu.region"() ({
      %run_scoped3A = tpu.sem_alloc : memref<!tpu.dma_semaphore, #tpu.memory_space<semaphore_mem>>
      %dma_start3A = tpu.memref_slice %arg3[%mul3A_10] : memref<65536xf32, #tpu.memory_space<hbm>> -> memref<2048xf32, #tpu.memory_space<hbm>>
      %dma_start3A_152 = tpu.memref_slice %arg3[%mul3A_10] : memref<65536xf32, #tpu.memory_space<hbm>> -> memref<2048xf32, #tpu.memory_space<hbm>>
      tpu.enqueue_dma source(%dma_start3A_152 : memref<2048xf32, #tpu.memory_space<hbm>>) target(%arg16 : memref<2048xf32, #tpu.memory_space<vmem>>) target_semaphore(%run_scoped3A : memref<!tpu.dma_semaphore, #tpu.memory_space<semaphore_mem>>)
      %dma_wait3A = tpu.memref_slice %arg3[%mul3A_10] : memref<65536xf32, #tpu.memory_space<hbm>> -> memref<2048xf32, #tpu.memory_space<hbm>>
      %dma_wait3A_153 = tpu.memref_slice %arg3[%mul3A_10] : memref<65536xf32, #tpu.memory_space<hbm>> -> memref<2048xf32, #tpu.memory_space<hbm>>
      tpu.wait_dma2 semaphore(%run_scoped3A : memref<!tpu.dma_semaphore, #tpu.memory_space<semaphore_mem>>) src(%dma_wait3A_153 : memref<2048xf32, #tpu.memory_space<hbm>>) dst(%arg16 : memref<2048xf32, #tpu.memory_space<vmem>>)
      tpu.yield
    }) : () -> ()
    %mul3A_11 = arith.constant 128 : i32
    %mul3A_12 = arith.muli %add3A, %mul3A_11 : i32
    %mul3A_13 = arith.constant 16 : i32
    %mul3A_14 = arith.muli %mul3A_12, %mul3A_13 : i32
    "tpu.region"() ({
      %run_scoped3A = tpu.sem_alloc : memref<!tpu.dma_semaphore, #tpu.memory_space<semaphore_mem>>
      %dma_start3A = tpu.memref_slice %arg4[%mul3A_14] : memref<65536xi32, #tpu.memory_space<hbm>> -> memref<2048xi32, #tpu.memory_space<hbm>>
      %dma_start3A_152 = tpu.memref_slice %arg4[%mul3A_14] : memref<65536xi32, #tpu.memory_space<hbm>> -> memref<2048xi32, #tpu.memory_space<hbm>>
      tpu.enqueue_dma source(%dma_start3A_152 : memref<2048xi32, #tpu.memory_space<hbm>>) target(%arg17 : memref<2048xi32, #tpu.memory_space<vmem>>) target_semaphore(%run_scoped3A : memref<!tpu.dma_semaphore, #tpu.memory_space<semaphore_mem>>)
      %dma_wait3A = tpu.memref_slice %arg4[%mul3A_14] : memref<65536xi32, #tpu.memory_space<hbm>> -> memref<2048xi32, #tpu.memory_space<hbm>>
      %dma_wait3A_153 = tpu.memref_slice %arg4[%mul3A_14] : memref<65536xi32, #tpu.memory_space<hbm>> -> memref<2048xi32, #tpu.memory_space<hbm>>
      tpu.wait_dma2 semaphore(%run_scoped3A : memref<!tpu.dma_semaphore, #tpu.memory_space<semaphore_mem>>) src(%dma_wait3A_153 : memref<2048xi32, #tpu.memory_space<hbm>>) dst(%arg17 : memref<2048xi32, #tpu.memory_space<vmem>>)
      tpu.yield
    }) : () -> ()
    %get3A = arith.constant 0 : index
    %get3A_15 = tpu.vector_load %arg23[%get3A] {strides = array<i32>} : memref<16xi32, #tpu.memory_space<vmem>>, vector<16xi32>,
    %get3A_16 = arith.constant 0 : index
    %get3A_17 = tpu.vector_load %arg24[%get3A_16] {strides = array<i32>} : memref<16xi32, #tpu.memory_space<vmem>>, vector<16xi32>,
    %iota3A = tpu.iota {dimensions = array<i32: 0>} : vector<16xi32>
    %add3A_18 = arith.constant 0 : i32
    %add3A_19 = vector.broadcast %add3A_18 : i32 to vector<16xi32>
    %add3A_20 = arith.addi %add3A_19, %iota3A : vector<16xi32>
    %rem3A = arith.constant 32 : i32
    %rem3A_21 = vector.broadcast %rem3A : i32 to vector<16xi32>
    %rem3A_22 = arith.remsi %add3A_20, %rem3A_21 : vector<16xi32>
    %get3A_23 = arith.constant 0 : index
    %get3A_24 = tpu.vector_load %arg15[%get3A_23] {strides = array<i32>} : memref<4096xi32, #tpu.memory_space<vmem>>, vector<16xi32>,
    %mul3A_25 = arith.constant 100001 : i32
    %mul3A_26 = vector.broadcast %mul3A_25 : i32 to vector<16xi32>
    %mul3A_27 = arith.muli %rem3A_22, %mul3A_26 : vector<16xi32>
    %add3A_28 = arith.addi %get3A_24, %mul3A_27 : vector<16xi32>
    %add3A_29 = arith.addi %add3A_28, %get3A_15 : vector<16xi32>
    %swap3A = arith.constant 0 : index
    %swap3A_30 = tpu.vector_load %arg14[%swap3A] {strides = array<i32>} : memref<320xi32, #tpu.memory_space<vmem>>, vector<16xi32>,
    tpu.vector_store %arg14[%swap3A], %add3A_29 {strides = array<i32>} : memref<320xi32, #tpu.memory_space<vmem>>, vector<16xi32>,
    %add3A_31 = arith.constant 16 : i32
    %add3A_32 = vector.broadcast %add3A_31 : i32 to vector<16xi32>
    %add3A_33 = arith.addi %add3A_32, %iota3A : vector<16xi32>
    %rem3A_34 = arith.constant 32 : i32
    %rem3A_35 = vector.broadcast %rem3A_34 : i32 to vector<16xi32>
    %rem3A_36 = arith.remsi %add3A_33, %rem3A_35 : vector<16xi32>
    %get3A_37 = arith.constant 16 : index
    %get3A_38 = tpu.vector_load %arg15[%get3A_37] {strides = array<i32>} : memref<4096xi32, #tpu.memory_space<vmem>>, vector<16xi32>,
    %mul3A_39 = arith.constant 100001 : i32
    %mul3A_40 = vector.broadcast %mul3A_39 : i32 to vector<16xi32>
    %mul3A_41 = arith.muli %rem3A_36, %mul3A_40 : vector<16xi32>
    %add3A_42 = arith.addi %get3A_38, %mul3A_41 : vector<16xi32>
    %add3A_43 = arith.addi %add3A_42, %get3A_15 : vector<16xi32>
    %swap3A_44 = arith.constant 16 : index
    %swap3A_45 = tpu.vector_load %arg14[%swap3A_44] {strides = array<i32>} : memref<320xi32, #tpu.memory_space<vmem>>, vector<16xi32>,
    tpu.vector_store %arg14[%swap3A_44], %add3A_43 {strides = array<i32>} : memref<320xi32, #tpu.memory_space<vmem>>, vector<16xi32>,
    %add3A_46 = arith.constant 32 : i32
    %add3A_47 = vector.broadcast %add3A_46 : i32 to vector<16xi32>
    %add3A_48 = arith.addi %add3A_47, %iota3A : vector<16xi32>
    %rem3A_49 = arith.constant 32 : i32
    %rem3A_50 = vector.broadcast %rem3A_49 : i32 to vector<16xi32>
    %rem3A_51 = arith.remsi %add3A_48, %rem3A_50 : vector<16xi32>
    %get3A_52 = arith.constant 32 : index
    %get3A_53 = tpu.vector_load %arg15[%get3A_52] {strides = array<i32>} : memref<4096xi32, #tpu.memory_space<vmem>>, vector<16xi32>,
    %mul3A_54 = arith.constant 100001 : i32
    %mul3A_55 = vector.broadcast %mul3A_54 : i32 to vector<16xi32>
    %mul3A_56 = arith.muli %rem3A_51, %mul3A_55 : vector<16xi32>
    %add3A_57 = arith.addi %get3A_53, %mul3A_56 : vector<16xi32>
    %add3A_58 = arith.addi %add3A_57, %get3A_15 : vector<16xi32>
    %swap3A_59 = arith.constant 32 : index
    %swap3A_60 = tpu.vector_load %arg14[%swap3A_59] {strides = array<i32>} : memref<320xi32, #tpu.memory_space<vmem>>, vector<16xi32>,
    tpu.vector_store %arg14[%swap3A_59], %add3A_58 {strides = array<i32>} : memref<320xi32, #tpu.memory_space<vmem>>, vector<16xi32>,
    %add3A_61 = arith.constant 48 : i32
    %add3A_62 = vector.broadcast %add3A_61 : i32 to vector<16xi32>
    %add3A_63 = arith.addi %add3A_62, %iota3A : vector<16xi32>
    %rem3A_64 = arith.constant 32 : i32
    %rem3A_65 = vector.broadcast %rem3A_64 : i32 to vector<16xi32>
    %rem3A_66 = arith.remsi %add3A_63, %rem3A_65 : vector<16xi32>
    %get3A_67 = arith.constant 48 : index
    %get3A_68 = tpu.vector_load %arg15[%get3A_67] {strides = array<i32>} : memref<4096xi32, #tpu.memory_space<vmem>>, vector<16xi32>,
    %mul3A_69 = arith.constant 100001 : i32
    %mul3A_70 = vector.broadcast %mul3A_69 : i32 to vector<16xi32>
    %mul3A_71 = arith.muli %rem3A_66, %mul3A_70 : vector<16xi32>
    %add3A_72 = arith.addi %get3A_68, %mul3A_71 : vector<16xi32>
    %add3A_73 = arith.addi %add3A_72, %get3A_15 : vector<16xi32>
    %swap3A_74 = arith.constant 48 : index
    %swap3A_75 = tpu.vector_load %arg14[%swap3A_74] {strides = array<i32>} : memref<320xi32, #tpu.memory_space<vmem>>, vector<16xi32>,
    tpu.vector_store %arg14[%swap3A_74], %add3A_73 {strides = array<i32>} : memref<320xi32, #tpu.memory_space<vmem>>, vector<16xi32>,
    %get3A_76 = arith.constant 0 : index
    %get3A_77 = tpu.vector_load %arg16[%get3A_76] {strides = array<i32>} : memref<2048xf32, #tpu.memory_space<vmem>>, vector<16xf32>,
    %max3A = arith.constant 9.99999997E-7 : f32
    %max3A_78 = vector.broadcast %max3A : f32 to vector<16xf32>
    %max3A_79 = arith.maximumf %get3A_77, %max3A_78 : vector<16xf32>
    %min3A = arith.constant 0.999998986 : f32
    %min3A_80 = vector.broadcast %min3A : f32 to vector<16xf32>
    %min3A_81 = arith.minimumf %max3A_79, %min3A_80 : vector<16xf32>
    %mul3A_82 = arith.constant 1.000000e+02 : f32
    %mul3A_83 = vector.broadcast %mul3A_82 : f32 to vector<16xf32>
    %mul3A_84 = arith.mulf %min3A_81, %mul3A_83 : vector<16xf32>
    %convert_element_type3A = arith.fptosi %mul3A_84 : vector<16xf32> to vector<16xi32>
    %get3A_85 = arith.constant 0 : index
    %get3A_86 = tpu.vector_load %arg17[%get3A_85] {strides = array<i32>} : memref<2048xi32, #tpu.memory_space<vmem>>, vector<16xi32>,
    %add3A_87 = arith.constant 0 : i32
    %add3A_88 = vector.broadcast %add3A_87 : i32 to vector<16xi32>
    %add3A_89 = arith.addi %add3A_88, %iota3A : vector<16xi32>
    %rem3A_90 = arith.constant 16 : i32
    %rem3A_91 = vector.broadcast %rem3A_90 : i32 to vector<16xi32>
    %rem3A_92 = arith.remsi %add3A_89, %rem3A_91 : vector<16xi32>
    %add3A_93 = arith.constant 1 : i32
    %add3A_94 = vector.broadcast %add3A_93 : i32 to vector<16xi32>
    %add3A_95 = arith.addi %convert_element_type3A, %add3A_94 : vector<16xi32>
    %mul3A_96 = arith.muli %add3A_95, %get3A_86 : vector<16xi32>
    %mul3A_97 = arith.constant 102 : i32
    %mul3A_98 = vector.broadcast %mul3A_97 : i32 to vector<16xi32>
    %mul3A_99 = arith.muli %rem3A_92, %mul3A_98 : vector<16xi32>
    %add3A_100 = arith.addi %mul3A_96, %mul3A_99 : vector<16xi32>
    %add3A_101 = arith.addi %add3A_100, %get3A_17 : vector<16xi32>
    %swap3A_102 = arith.constant 64 : index
    %swap3A_103 = tpu.vector_load %arg14[%swap3A_102] {strides = array<i32>} : memref<320xi32, #tpu.memory_space<vmem>>, vector<16xi32>,
    tpu.vector_store %arg14[%swap3A_102], %add3A_101 {strides = array<i32>} : memref<320xi32, #tpu.memory_space<vmem>>, vector<16xi32>,
    %swap3A_104 = arith.constant 96 : index
    %swap3A_105 = tpu.vector_load %arg14[%swap3A_104] {strides = array<i32>} : memref<320xi32, #tpu.memory_space<vmem>>, vector<16xi32>,
    tpu.vector_store %arg14[%swap3A_104], %get3A_86 {strides = array<i32>} : memref<320xi32, #tpu.memory_space<vmem>>, vector<16xi32>,
    %convert_element_type3A_106 = arith.sitofp %convert_element_type3A : vector<16xi32> to vector<16xf32>
    %sub3A = arith.subf %mul3A_84, %convert_element_type3A_106 : vector<16xf32>
    %bitcast3A = vector.bitcast %sub3A : vector<16xf32> to vector<16xi32>
    %swap3A_107 = arith.constant 128 : index
    %swap3A_108 = tpu.vector_load %arg14[%swap3A_107] {strides = array<i32>} : memref<320xi32, #tpu.memory_space<vmem>>, vector<16xi32>,
    tpu.vector_store %arg14[%swap3A_107], %bitcast3A {strides = array<i32>} : memref<320xi32, #tpu.memory_space<vmem>>, vector<16xi32>,
    %get3A_109 = arith.constant 16 : index
    %get3A_110 = tpu.vector_load %arg16[%get3A_109] {strides = array<i32>} : memref<2048xf32, #tpu.memory_space<vmem>>, vector<16xf32>,
    %max3A_111 = arith.constant 9.99999997E-7 : f32
    %max3A_112 = vector.broadcast %max3A_111 : f32 to vector<16xf32>
    %max3A_113 = arith.maximumf %get3A_110, %max3A_112 : vector<16xf32>
    %min3A_114 = arith.constant 0.999998986 : f32
    %min3A_115 = vector.broadcast %min3A_114 : f32 to vector<16xf32>
    %min3A_116 = arith.minimumf %max3A_113, %min3A_115 : vector<16xf32>
    %mul3A_117 = arith.constant 1.000000e+02 : f32
    %mul3A_118 = vector.broadcast %mul3A_117 : f32 to vector<16xf32>
    %mul3A_119 = arith.mulf %min3A_116, %mul3A_118 : vector<16xf32>
    %convert_element_type3A_120 = arith.fptosi %mul3A_119 : vector<16xf32> to vector<16xi32>
    %get3A_121 = arith.constant 16 : index
    %get3A_122 = tpu.vector_load %arg17[%get3A_121] {strides = array<i32>} : memref<2048xi32, #tpu.memory_space<vmem>>, vector<16xi32>,
    %add3A_123 = arith.constant 16 : i32
    %add3A_124 = vector.broadcast %add3A_123 : i32 to vector<16xi32>
    %add3A_125 = arith.addi %add3A_124, %iota3A : vector<16xi32>
    %rem3A_126 = arith.constant 16 : i32
    %rem3A_127 = vector.broadcast %rem3A_126 : i32 to vector<16xi32>
    %rem3A_128 = arith.remsi %add3A_125, %rem3A_127 : vector<16xi32>
    %add3A_129 = arith.constant 1 : i32
    %add3A_130 = vector.broadcast %add3A_129 : i32 to vector<16xi32>
    %add3A_131 = arith.addi %convert_element_type3A_120, %add3A_130 : vector<16xi32>
    %mul3A_132 = arith.muli %add3A_131, %get3A_122 : vector<16xi32>
    %mul3A_133 = arith.constant 102 : i32
    %mul3A_134 = vector.broadcast %mul3A_133 : i32 to vector<16xi32>
    %mul3A_135 = arith.muli %rem3A_128, %mul3A_134 : vector<16xi32>
    %add3A_136 = arith.addi %mul3A_132, %mul3A_135 : vector<16xi32>
    %add3A_137 = arith.addi %add3A_136, %get3A_17 : vector<16xi32>
    %swap3A_138 = arith.constant 80 : index
    %swap3A_139 = tpu.vector_load %arg14[%swap3A_138] {strides = array<i32>} : memref<320xi32, #tpu.memory_space<vmem>>, vector<16xi32>,
    tpu.vector_store %arg14[%swap3A_138], %add3A_137 {strides = array<i32>} : memref<320xi32, #tpu.memory_space<vmem>>, vector<16xi32>,
    %swap3A_140 = arith.constant 112 : index
    %swap3A_141 = tpu.vector_load %arg14[%swap3A_140] {strides = array<i32>} : memref<320xi32, #tpu.memory_space<vmem>>, vector<16xi32>,
    tpu.vector_store %arg14[%swap3A_140], %get3A_122 {strides = array<i32>} : memref<320xi32, #tpu.memory_space<vmem>>, vector<16xi32>,
    %convert_element_type3A_142 = arith.sitofp %convert_element_type3A_120 : vector<16xi32> to vector<16xf32>
    %sub3A_143 = arith.subf %mul3A_119, %convert_element_type3A_142 : vector<16xf32>
    %bitcast3A_144 = vector.bitcast %sub3A_143 : vector<16xf32> to vector<16xi32>
    %swap3A_145 = arith.constant 144 : index
    %swap3A_146 = tpu.vector_load %arg14[%swap3A_145] {strides = array<i32>} : memref<320xi32, #tpu.memory_space<vmem>>, vector<16xi32>,
    tpu.vector_store %arg14[%swap3A_145], %bitcast3A_144 {strides = array<i32>} : memref<320xi32, #tpu.memory_space<vmem>>, vector<16xi32>,
    "tpu.region"() ({
      %run_scoped3A = tpu.sem_alloc : memref<!tpu.dma_semaphore, #tpu.memory_space<semaphore_mem>>
      %dma_start3A = arith.constant 0 : i32
      %dma_start3A_152 = tpu.memref_slice %arg14[%dma_start3A] : memref<320xi32, #tpu.memory_space<vmem>> -> memref<160xi32, #tpu.memory_space<vmem>>
      %dma_start3A_153 = tpu.memref_slice %arg25[%mul3A_2] : memref<2560xi32, #tpu.memory_space<vmem_shared>> -> memref<160xi32, #tpu.memory_space<vmem_shared>>
      %dma_start3A_154 = tpu.memref_slice %arg25[%mul3A_2] : memref<2560xi32, #tpu.memory_space<vmem_shared>> -> memref<160xi32, #tpu.memory_space<vmem_shared>>
      %dma_start3A_155 = arith.constant 0 : i32
      %dma_start3A_156 = tpu.memref_slice %arg14[%dma_start3A_155] : memref<320xi32, #tpu.memory_space<vmem>> -> memref<160xi32, #tpu.memory_space<vmem>>
      tpu.enqueue_dma source(%dma_start3A_156 : memref<160xi32, #tpu.memory_space<vmem>>) target(%dma_start3A_154 : memref<160xi32, #tpu.memory_space<vmem_shared>>) target_semaphore(%run_scoped3A : memref<!tpu.dma_semaphore, #tpu.memory_space<semaphore_mem>>)
      %dma_wait3A = arith.constant 0 : i32
      %dma_wait3A_157 = tpu.memref_slice %arg14[%dma_wait3A] : memref<320xi32, #tpu.memory_space<vmem>> -> memref<160xi32, #tpu.memory_space<vmem>>
      %dma_wait3A_158 = tpu.memref_slice %arg25[%mul3A_2] : memref<2560xi32, #tpu.memory_space<vmem_shared>> -> memref<160xi32, #tpu.memory_space<vmem_shared>>
      %dma_wait3A_159 = tpu.memref_slice %arg25[%mul3A_2] : memref<2560xi32, #tpu.memory_space<vmem_shared>> -> memref<160xi32, #tpu.memory_space<vmem_shared>>
      %dma_wait3A_160 = arith.constant 0 : i32
      %dma_wait3A_161 = tpu.memref_slice %arg14[%dma_wait3A_160] : memref<320xi32, #tpu.memory_space<vmem>> -> memref<160xi32, #tpu.memory_space<vmem>>
      tpu.wait_dma2 semaphore(%run_scoped3A : memref<!tpu.dma_semaphore, #tpu.memory_space<semaphore_mem>>) src(%dma_wait3A_161 : memref<160xi32, #tpu.memory_space<vmem>>) dst(%dma_wait3A_159 : memref<160xi32, #tpu.memory_space<vmem_shared>>)
      tpu.yield
    }) : () -> ()
    "tpu.region"() ({
      %run_scoped3A = tpu.sem_alloc : memref<!tpu.dma_semaphore, #tpu.memory_space<semaphore_mem>>
      %dma_start3A = arith.constant 0 : i32
      %dma_start3A_152 = tpu.memref_slice %arg26[%dma_start3A] : memref<320xi32, #tpu.memory_space<smem>> -> memref<160xi32, #tpu.memory_space<smem>>
      %dma_start3A_153 = tpu.memref_slice %arg25[%mul3A_2] : memref<2560xi32, #tpu.memory_space<vmem_shared>> -> memref<160xi32, #tpu.memory_space<vmem_shared>>
      tpu.enqueue_dma source(%dma_start3A_153 : memref<160xi32, #tpu.memory_space<vmem_shared>>) target(%dma_start3A_152 : memref<160xi32, #tpu.memory_space<smem>>) target_semaphore(%run_scoped3A : memref<!tpu.dma_semaphore, #tpu.memory_space<semaphore_mem>>)
      %dma_wait3A = arith.constant 0 : i32
      %dma_wait3A_154 = tpu.memref_slice %arg26[%dma_wait3A] : memref<320xi32, #tpu.memory_space<smem>> -> memref<160xi32, #tpu.memory_space<smem>>
      %dma_wait3A_155 = tpu.memref_slice %arg25[%mul3A_2] : memref<2560xi32, #tpu.memory_space<vmem_shared>> -> memref<160xi32, #tpu.memory_space<vmem_shared>>
      tpu.wait_dma2 semaphore(%run_scoped3A : memref<!tpu.dma_semaphore, #tpu.memory_space<semaphore_mem>>) src(%dma_wait3A_155 : memref<160xi32, #tpu.memory_space<vmem_shared>>) dst(%dma_wait3A_154 : memref<160xi32, #tpu.memory_space<smem>>)
      tpu.yield
    }) : () -> ()
    %scan3A = arith.constant 0 : i32
    %scan3A_147 = arith.constant 0 : i32
    %scan3A_148 = arith.constant 64 : i32
    %scan3A_149 = arith.addi %scan3A_147, %scan3A_148 : i32
    %scan3A_150 = arith.constant 1 : i32
    scf.for %scan3A_152 = %scan3A_147 to %scan3A_149 step %scan3A_150  : i32 {
      %mul3A_153 = arith.constant 128 : i32
      %mul3A_154 = arith.muli %add3A, %mul3A_153 : i32
      %mul3A_155 = arith.constant 2 : i32
      %mul3A_156 = arith.muli %scan3A_152, %mul3A_155 : i32
      %add3A_157 = arith.addi %mul3A_154, %mul3A_156 : i32
      %rem3A_158 = arith.constant 2 : i32
      %rem3A_159 = arith.remsi %scan3A_152, %rem3A_158 : i32
      %mul3A_160 = arith.constant 160 : i32
      %mul3A_161 = arith.muli %rem3A_159, %mul3A_160 : i32
      %add3A_162 = arith.constant 1 : i32
      %add3A_163 = arith.addi %scan3A_152, %add3A_162 : i32
      %rem3A_164 = arith.constant 2 : i32
      %rem3A_165 = arith.remsi %add3A_163, %rem3A_164 : i32
      %mul3A_166 = arith.constant 160 : i32
      %mul3A_167 = arith.muli %rem3A_165, %mul3A_166 : i32
      %scan3A_168 = arith.constant 0 : i32
      %scan3A_169 = arith.constant 0 : i32
      %scan3A_170 = arith.constant 0 : i32
      %scan3A_171 = arith.constant 52 : i32
      %scan3A_172 = arith.addi %scan3A_170, %scan3A_171 : i32
      %scan3A_173 = arith.constant 1 : i32
      %scan3A_174:2 = scf.for %scan3A_209 = %scan3A_170 to %scan3A_172 step %scan3A_173 iter_args(%scan3A_210 = %scan3A_168, %scan3A_211 = %scan3A_169) -> (i32, i32)  : i32 {
        %add3A_212 = arith.addi %mul3A_161, %scan3A_211 : i32
        %get3A_213 = arith.index_cast %add3A_212 : i32 to index
        %get3A_214 = memref.load %arg26[%get3A_213] : memref<320xi32, #tpu.memory_space<smem>>
        %lt3A_215 = arith.constant 2600016 : i32
        %lt3A_216 = arith.cmpi slt, %get3A_214, %lt3A_215 : i32
        %jit3A = arith.constant 8 : i32
        %div3A = arith.divsi %get3A_214, %jit3A : i32
        %sign3A = arith.constant 0 : i32
        %sign3A_217 = arith.cmpi sgt, %get3A_214, %sign3A : i32
        %sign3A_218 = arith.extui %sign3A_217 : i1 to i32
        %sign3A_219 = arith.constant 0 : i32
        %sign3A_220 = arith.cmpi slt, %get3A_214, %sign3A_219 : i32
        %sign3A_221 = arith.extui %sign3A_220 : i1 to i32
        %sign3A_222 = arith.subi %sign3A_218, %sign3A_221 : i32
        %sign3A_223 = arith.constant 0 : i32
        %sign3A_224 = arith.cmpi sgt, %jit3A, %sign3A_223 : i32
        %sign3A_225 = arith.extui %sign3A_224 : i1 to i32
        %sign3A_226 = arith.constant 0 : i32
        %sign3A_227 = arith.cmpi slt, %jit3A, %sign3A_226 : i32
        %sign3A_228 = arith.extui %sign3A_227 : i1 to i32
        %sign3A_229 = arith.subi %sign3A_225, %sign3A_228 : i32
        %ne3A = arith.cmpi ne, %sign3A_222, %sign3A_229 : i32
        %rem3A_230 = arith.remsi %get3A_214, %jit3A : i32
        %ne3A_231 = arith.constant 0 : i32
        %ne3A_232 = arith.cmpi ne, %rem3A_230, %ne3A_231 : i32
        %and3A = arith.andi %ne3A, %ne3A_232 : i1
        %sub3A_233 = arith.constant 1 : i32
        %sub3A_234 = arith.subi %div3A, %sub3A_233 : i32
        %select_n3A = arith.select %and3A, %sub3A_234, %div3A : i32
        %mul3A_235 = arith.constant 8 : i32
        %mul3A_236 = arith.muli %select_n3A, %mul3A_235 : i32
        %jit3A_237 = arith.constant 0 : i32
        %select_n3A_238 = arith.select %lt3A_216, %mul3A_236, %jit3A_237 : i32
        %dma_start3A = arith.constant 0 : i32
        %dma_start3A_239 = arith.constant 0 : i32
        %dma_start3A_240 = tpu.memref_slice %arg18[%scan3A_209, %dma_start3A, %dma_start3A_239] : memref<52x8x32xf32, #tpu.memory_space<vmem>> -> memref<1x8x32xf32, #tpu.memory_space<vmem>>
        %dma_start3A_241 = tpu.memref_squeeze %dma_start3A_240 : memref<1x8x32xf32, #tpu.memory_space<vmem>> -> memref<8x32xf32, #tpu.memory_space<vmem>>
        %dma_start3A_242 = arith.constant 0 : i32
        %dma_start3A_243 = tpu.memref_slice %arg7[%select_n3A_238, %dma_start3A_242] : memref<2600027x32xf32, #tpu.memory_space<hbm>> -> memref<8x32xf32, #tpu.memory_space<hbm>>
        %dma_start3A_244 = arith.constant 0 : i32
        %dma_start3A_245 = arith.constant 0 : i32
        %dma_start3A_246 = tpu.memref_slice %arg18[%scan3A_209, %dma_start3A_244, %dma_start3A_245] : memref<52x8x32xf32, #tpu.memory_space<vmem>> -> memref<1x8x32xf32, #tpu.memory_space<vmem>>
        %dma_start3A_247 = tpu.memref_squeeze %dma_start3A_246 : memref<1x8x32xf32, #tpu.memory_space<vmem>> -> memref<8x32xf32, #tpu.memory_space<vmem>>
        %dma_start3A_248 = arith.constant 0 : i32
        %dma_start3A_249 = tpu.memref_slice %arg7[%select_n3A_238, %dma_start3A_248] : memref<2600027x32xf32, #tpu.memory_space<hbm>> -> memref<8x32xf32, #tpu.memory_space<hbm>>
        tpu.enqueue_dma source(%dma_start3A_249 : memref<8x32xf32, #tpu.memory_space<hbm>>) target(%dma_start3A_247 : memref<8x32xf32, #tpu.memory_space<vmem>>) target_semaphore(%arg27 : memref<!tpu.dma_semaphore, #tpu.memory_space<semaphore_mem>>)
        %eq3A = arith.constant 25 : i32
        %eq3A_250 = arith.cmpi eq, %scan3A_210, %eq3A : i32
        %add3A_251 = arith.constant 1 : i32
        %add3A_252 = arith.addi %scan3A_210, %add3A_251 : i32
        %jit3A_253 = arith.constant 0 : i32
        %select_n3A_254 = arith.select %eq3A_250, %jit3A_253, %add3A_252 : i32
        %add3A_255 = arith.constant 32 : i32
        %add3A_256 = arith.addi %scan3A_211, %add3A_255 : i32
        %sub3A_257 = arith.constant 26 : i32
        %sub3A_258 = arith.subi %add3A_256, %sub3A_257 : i32
        %add3A_259 = arith.constant 1 : i32
        %add3A_260 = arith.addi %sub3A_258, %add3A_259 : i32
        %add3A_261 = arith.constant 1 : i32
        %add3A_262 = arith.addi %scan3A_211, %add3A_261 : i32
        %select_n3A_263 = arith.select %eq3A_250, %add3A_260, %add3A_262 : i32
        scf.yield %select_n3A_254, %select_n3A_263 : i32, i32
      }
      %scan3A_175 = arith.constant 52 : i32
      %scan3A_176 = arith.constant 0 : i32
      %scan3A_177 = arith.constant 0 : i32
      %scan3A_178 = arith.constant 0 : i32
      %scan3A_179 = arith.constant 26 : i32
      %scan3A_180 = arith.addi %scan3A_178, %scan3A_179 : i32
      %scan3A_181 = arith.constant 1 : i32
      %scan3A_182:2 = scf.for %scan3A_209 = %scan3A_178 to %scan3A_180 step %scan3A_181 iter_args(%scan3A_210 = %scan3A_176, %scan3A_211 = %scan3A_177) -> (i32, i32)  : i32 {
        %add3A_212 = arith.constant 64 : i32
        %add3A_213 = arith.addi %mul3A_161, %add3A_212 : i32
        %add3A_214 = arith.addi %add3A_213, %scan3A_211 : i32
        %get3A_215 = arith.index_cast %add3A_214 : i32 to index
        %get3A_216 = memref.load %arg26[%get3A_215] : memref<320xi32, #tpu.memory_space<smem>>
        %lt3A_217 = arith.constant 1304 : i32
        %lt3A_218 = arith.cmpi slt, %get3A_216, %lt3A_217 : i32
        %jit3A = arith.constant 8 : i32
        %div3A = arith.divsi %get3A_216, %jit3A : i32
        %sign3A = arith.constant 0 : i32
        %sign3A_219 = arith.cmpi sgt, %get3A_216, %sign3A : i32
        %sign3A_220 = arith.extui %sign3A_219 : i1 to i32
        %sign3A_221 = arith.constant 0 : i32
        %sign3A_222 = arith.cmpi slt, %get3A_216, %sign3A_221 : i32
        %sign3A_223 = arith.extui %sign3A_222 : i1 to i32
        %sign3A_224 = arith.subi %sign3A_220, %sign3A_223 : i32
        %sign3A_225 = arith.constant 0 : i32
        %sign3A_226 = arith.cmpi sgt, %jit3A, %sign3A_225 : i32
        %sign3A_227 = arith.extui %sign3A_226 : i1 to i32
        %sign3A_228 = arith.constant 0 : i32
        %sign3A_229 = arith.cmpi slt, %jit3A, %sign3A_228 : i32
        %sign3A_230 = arith.extui %sign3A_229 : i1 to i32
        %sign3A_231 = arith.subi %sign3A_227, %sign3A_230 : i32
        %ne3A = arith.cmpi ne, %sign3A_224, %sign3A_231 : i32
        %rem3A_232 = arith.remsi %get3A_216, %jit3A : i32
        %ne3A_233 = arith.constant 0 : i32
        %ne3A_234 = arith.cmpi ne, %rem3A_232, %ne3A_233 : i32
        %and3A = arith.andi %ne3A, %ne3A_234 : i1
        %sub3A_235 = arith.constant 1 : i32
        %sub3A_236 = arith.subi %div3A, %sub3A_235 : i32
        %select_n3A = arith.select %and3A, %sub3A_236, %div3A : i32
        %mul3A_237 = arith.constant 8 : i32
        %mul3A_238 = arith.muli %select_n3A, %mul3A_237 : i32
        %jit3A_239 = arith.constant 0 : i32
        %select_n3A_240 = arith.select %lt3A_218, %mul3A_238, %jit3A_239 : i32
        %dma_start3A = arith.constant 0 : i32
        %dma_start3A_241 = arith.constant 0 : i32
        %dma_start3A_242 = tpu.memref_slice %arg19[%scan3A_209, %dma_start3A, %dma_start3A_241] : memref<26x16x32xf32, #tpu.memory_space<vmem>> -> memref<1x16x32xf32, #tpu.memory_space<vmem>>
        %dma_start3A_243 = tpu.memref_squeeze %dma_start3A_242 : memref<1x16x32xf32, #tpu.memory_space<vmem>> -> memref<16x32xf32, #tpu.memory_space<vmem>>
        %dma_start3A_244 = arith.constant 0 : i32
        %dma_start3A_245 = tpu.memref_slice %arg8[%select_n3A_240, %dma_start3A_244] : memref<1326x32xf32, #tpu.memory_space<hbm>> -> memref<16x32xf32, #tpu.memory_space<hbm>>
        %dma_start3A_246 = arith.constant 0 : i32
        %dma_start3A_247 = arith.constant 0 : i32
        %dma_start3A_248 = tpu.memref_slice %arg19[%scan3A_209, %dma_start3A_246, %dma_start3A_247] : memref<26x16x32xf32, #tpu.memory_space<vmem>> -> memref<1x16x32xf32, #tpu.memory_space<vmem>>
        %dma_start3A_249 = tpu.memref_squeeze %dma_start3A_248 : memref<1x16x32xf32, #tpu.memory_space<vmem>> -> memref<16x32xf32, #tpu.memory_space<vmem>>
        %dma_start3A_250 = arith.constant 0 : i32
        %dma_start3A_251 = tpu.memref_slice %arg8[%select_n3A_240, %dma_start3A_250] : memref<1326x32xf32, #tpu.memory_space<hbm>> -> memref<16x32xf32, #tpu.memory_space<hbm>>
        tpu.enqueue_dma source(%dma_start3A_251 : memref<16x32xf32, #tpu.memory_space<hbm>>) target(%dma_start3A_249 : memref<16x32xf32, #tpu.memory_space<vmem>>) target_semaphore(%arg28 : memref<!tpu.dma_semaphore, #tpu.memory_space<semaphore_mem>>)
        %eq3A = arith.constant 12 : i32
        %eq3A_252 = arith.cmpi eq, %scan3A_210, %eq3A : i32
        %add3A_253 = arith.constant 1 : i32
        %add3A_254 = arith.addi %scan3A_210, %add3A_253 : i32
        %jit3A_255 = arith.constant 0 : i32
        %select_n3A_256 = arith.select %eq3A_252, %jit3A_255, %add3A_254 : i32
        %add3A_257 = arith.constant 16 : i32
        %add3A_258 = arith.addi %scan3A_211, %add3A_257 : i32
        %sub3A_259 = arith.constant 13 : i32
        %sub3A_260 = arith.subi %add3A_258, %sub3A_259 : i32
        %add3A_261 = arith.constant 1 : i32
        %add3A_262 = arith.addi %sub3A_260, %add3A_261 : i32
        %add3A_263 = arith.constant 1 : i32
        %add3A_264 = arith.addi %scan3A_211, %add3A_263 : i32
        %select_n3A_265 = arith.select %eq3A_252, %add3A_262, %add3A_264 : i32
        scf.yield %select_n3A_256, %select_n3A_265 : i32, i32
      }
      %scan3A_183 = arith.constant 26 : i32
      %add3A_184 = arith.constant 1 : i32
      %add3A_185 = arith.addi %scan3A_152, %add3A_184 : i32
      %lt3A = arith.constant 64 : i32
      %lt3A_186 = arith.cmpi slt, %add3A_185, %lt3A : i32
      %convert_element_type3A_187 = arith.extui %lt3A_186 : i1 to i32
      %cond3A = arith.constant 0 : i32
      %cond3A_188 = arith.cmpi ne, %convert_element_type3A_187, %cond3A : i32
      scf.if %cond3A_188 {
        %add3A_209 = arith.constant 1 : i32
        %add3A_210 = arith.addi %scan3A_152, %add3A_209 : i32
        %mul3A_211 = arith.constant 64 : i32
        %mul3A_212 = arith.muli %add3A_210, %mul3A_211 : i32
        %mul3A_213 = arith.constant 32 : i32
        %mul3A_214 = arith.muli %add3A_210, %mul3A_213 : i32
        %add3A_215 = arith.constant 0 : i32
        %add3A_216 = vector.broadcast %add3A_215 : i32 to vector<16xi32>
        %add3A_217 = arith.addi %add3A_216, %iota3A : vector<16xi32>
        %rem3A_218 = arith.constant 32 : i32
        %rem3A_219 = vector.broadcast %rem3A_218 : i32 to vector<16xi32>
        %rem3A_220 = arith.remsi %add3A_217, %rem3A_219 : vector<16xi32>
        %add3A_221 = arith.constant 0 : i32
        %add3A_222 = arith.addi %mul3A_212, %add3A_221 : i32
        %get3A_223 = arith.index_cast %add3A_222 : i32 to index
        %get3A_224 = tpu.vector_load %arg15[%get3A_223] {strides = array<i32>} : memref<4096xi32, #tpu.memory_space<vmem>>, vector<16xi32>,
        %mul3A_225 = arith.constant 100001 : i32
        %mul3A_226 = vector.broadcast %mul3A_225 : i32 to vector<16xi32>
        %mul3A_227 = arith.muli %rem3A_220, %mul3A_226 : vector<16xi32>
        %add3A_228 = arith.addi %get3A_224, %mul3A_227 : vector<16xi32>
        %add3A_229 = arith.addi %add3A_228, %get3A_15 : vector<16xi32>
        %add3A_230 = arith.constant 0 : i32
        %add3A_231 = arith.addi %mul3A_167, %add3A_230 : i32
        %swap3A_232 = arith.index_cast %add3A_231 : i32 to index
        %swap3A_233 = tpu.vector_load %arg14[%swap3A_232] {strides = array<i32>} : memref<320xi32, #tpu.memory_space<vmem>>, vector<16xi32>,
        tpu.vector_store %arg14[%swap3A_232], %add3A_229 {strides = array<i32>} : memref<320xi32, #tpu.memory_space<vmem>>, vector<16xi32>,
        %add3A_234 = arith.constant 16 : i32
        %add3A_235 = vector.broadcast %add3A_234 : i32 to vector<16xi32>
        %add3A_236 = arith.addi %add3A_235, %iota3A : vector<16xi32>
        %rem3A_237 = arith.constant 32 : i32
        %rem3A_238 = vector.broadcast %rem3A_237 : i32 to vector<16xi32>
        %rem3A_239 = arith.remsi %add3A_236, %rem3A_238 : vector<16xi32>
        %add3A_240 = arith.constant 16 : i32
        %add3A_241 = arith.addi %mul3A_212, %add3A_240 : i32
        %get3A_242 = arith.index_cast %add3A_241 : i32 to index
        %get3A_243 = tpu.vector_load %arg15[%get3A_242] {strides = array<i32>} : memref<4096xi32, #tpu.memory_space<vmem>>, vector<16xi32>,
        %mul3A_244 = arith.constant 100001 : i32
        %mul3A_245 = vector.broadcast %mul3A_244 : i32 to vector<16xi32>
        %mul3A_246 = arith.muli %rem3A_239, %mul3A_245 : vector<16xi32>
        %add3A_247 = arith.addi %get3A_243, %mul3A_246 : vector<16xi32>
        %add3A_248 = arith.addi %add3A_247, %get3A_15 : vector<16xi32>
        %add3A_249 = arith.constant 16 : i32
        %add3A_250 = arith.addi %mul3A_167, %add3A_249 : i32
        %swap3A_251 = arith.index_cast %add3A_250 : i32 to index
        %swap3A_252 = tpu.vector_load %arg14[%swap3A_251] {strides = array<i32>} : memref<320xi32, #tpu.memory_space<vmem>>, vector<16xi32>,
        tpu.vector_store %arg14[%swap3A_251], %add3A_248 {strides = array<i32>} : memref<320xi32, #tpu.memory_space<vmem>>, vector<16xi32>,
        %add3A_253 = arith.constant 32 : i32
        %add3A_254 = vector.broadcast %add3A_253 : i32 to vector<16xi32>
        %add3A_255 = arith.addi %add3A_254, %iota3A : vector<16xi32>
        %rem3A_256 = arith.constant 32 : i32
        %rem3A_257 = vector.broadcast %rem3A_256 : i32 to vector<16xi32>
        %rem3A_258 = arith.remsi %add3A_255, %rem3A_257 : vector<16xi32>
        %add3A_259 = arith.constant 32 : i32
        %add3A_260 = arith.addi %mul3A_212, %add3A_259 : i32
        %get3A_261 = arith.index_cast %add3A_260 : i32 to index
        %get3A_262 = tpu.vector_load %arg15[%get3A_261] {strides = array<i32>} : memref<4096xi32, #tpu.memory_space<vmem>>, vector<16xi32>,
        %mul3A_263 = arith.constant 100001 : i32
        %mul3A_264 = vector.broadcast %mul3A_263 : i32 to vector<16xi32>
        %mul3A_265 = arith.muli %rem3A_258, %mul3A_264 : vector<16xi32>
        %add3A_266 = arith.addi %get3A_262, %mul3A_265 : vector<16xi32>
        %add3A_267 = arith.addi %add3A_266, %get3A_15 : vector<16xi32>
        %add3A_268 = arith.constant 32 : i32
        %add3A_269 = arith.addi %mul3A_167, %add3A_268 : i32
        %swap3A_270 = arith.index_cast %add3A_269 : i32 to index
        %swap3A_271 = tpu.vector_load %arg14[%swap3A_270] {strides = array<i32>} : memref<320xi32, #tpu.memory_space<vmem>>, vector<16xi32>,
        tpu.vector_store %arg14[%swap3A_270], %add3A_267 {strides = array<i32>} : memref<320xi32, #tpu.memory_space<vmem>>, vector<16xi32>,
        %add3A_272 = arith.constant 48 : i32
        %add3A_273 = vector.broadcast %add3A_272 : i32 to vector<16xi32>
        %add3A_274 = arith.addi %add3A_273, %iota3A : vector<16xi32>
        %rem3A_275 = arith.constant 32 : i32
        %rem3A_276 = vector.broadcast %rem3A_275 : i32 to vector<16xi32>
        %rem3A_277 = arith.remsi %add3A_274, %rem3A_276 : vector<16xi32>
        %add3A_278 = arith.constant 48 : i32
        %add3A_279 = arith.addi %mul3A_212, %add3A_278 : i32
        %get3A_280 = arith.index_cast %add3A_279 : i32 to index
        %get3A_281 = tpu.vector_load %arg15[%get3A_280] {strides = array<i32>} : memref<4096xi32, #tpu.memory_space<vmem>>, vector<16xi32>,
        %mul3A_282 = arith.constant 100001 : i32
        %mul3A_283 = vector.broadcast %mul3A_282 : i32 to vector<16xi32>
        %mul3A_284 = arith.muli %rem3A_277, %mul3A_283 : vector<16xi32>
        %add3A_285 = arith.addi %get3A_281, %mul3A_284 : vector<16xi32>
        %add3A_286 = arith.addi %add3A_285, %get3A_15 : vector<16xi32>
        %add3A_287 = arith.constant 48 : i32
        %add3A_288 = arith.addi %mul3A_167, %add3A_287 : i32
        %swap3A_289 = arith.index_cast %add3A_288 : i32 to index
        %swap3A_290 = tpu.vector_load %arg14[%swap3A_289] {strides = array<i32>} : memref<320xi32, #tpu.memory_space<vmem>>, vector<16xi32>,
        tpu.vector_store %arg14[%swap3A_289], %add3A_286 {strides = array<i32>} : memref<320xi32, #tpu.memory_space<vmem>>, vector<16xi32>,
        %add3A_291 = arith.constant 0 : i32
        %add3A_292 = arith.addi %mul3A_214, %add3A_291 : i32
        %get3A_293 = arith.index_cast %add3A_292 : i32 to index
        %get3A_294 = tpu.vector_load %arg16[%get3A_293] {strides = array<i32>} : memref<2048xf32, #tpu.memory_space<vmem>>, vector<16xf32>,
        %max3A_295 = arith.constant 9.99999997E-7 : f32
        %max3A_296 = vector.broadcast %max3A_295 : f32 to vector<16xf32>
        %max3A_297 = arith.maximumf %get3A_294, %max3A_296 : vector<16xf32>
        %min3A_298 = arith.constant 0.999998986 : f32
        %min3A_299 = vector.broadcast %min3A_298 : f32 to vector<16xf32>
        %min3A_300 = arith.minimumf %max3A_297, %min3A_299 : vector<16xf32>
        %mul3A_301 = arith.constant 1.000000e+02 : f32
        %mul3A_302 = vector.broadcast %mul3A_301 : f32 to vector<16xf32>
        %mul3A_303 = arith.mulf %min3A_300, %mul3A_302 : vector<16xf32>
        %convert_element_type3A_304 = arith.fptosi %mul3A_303 : vector<16xf32> to vector<16xi32>
        %add3A_305 = arith.constant 0 : i32
        %add3A_306 = arith.addi %mul3A_214, %add3A_305 : i32
        %get3A_307 = arith.index_cast %add3A_306 : i32 to index
        %get3A_308 = tpu.vector_load %arg17[%get3A_307] {strides = array<i32>} : memref<2048xi32, #tpu.memory_space<vmem>>, vector<16xi32>,
        %add3A_309 = arith.constant 0 : i32
        %add3A_310 = vector.broadcast %add3A_309 : i32 to vector<16xi32>
        %add3A_311 = arith.addi %add3A_310, %iota3A : vector<16xi32>
        %rem3A_312 = arith.constant 16 : i32
        %rem3A_313 = vector.broadcast %rem3A_312 : i32 to vector<16xi32>
        %rem3A_314 = arith.remsi %add3A_311, %rem3A_313 : vector<16xi32>
        %add3A_315 = arith.constant 1 : i32
        %add3A_316 = vector.broadcast %add3A_315 : i32 to vector<16xi32>
        %add3A_317 = arith.addi %convert_element_type3A_304, %add3A_316 : vector<16xi32>
        %mul3A_318 = arith.muli %add3A_317, %get3A_308 : vector<16xi32>
        %mul3A_319 = arith.constant 102 : i32
        %mul3A_320 = vector.broadcast %mul3A_319 : i32 to vector<16xi32>
        %mul3A_321 = arith.muli %rem3A_314, %mul3A_320 : vector<16xi32>
        %add3A_322 = arith.addi %mul3A_318, %mul3A_321 : vector<16xi32>
        %add3A_323 = arith.addi %add3A_322, %get3A_17 : vector<16xi32>
        %add3A_324 = arith.constant 64 : i32
        %add3A_325 = arith.addi %mul3A_167, %add3A_324 : i32
        %add3A_326 = arith.constant 0 : i32
        %add3A_327 = arith.addi %add3A_325, %add3A_326 : i32
        %swap3A_328 = arith.index_cast %add3A_327 : i32 to index
        %swap3A_329 = tpu.vector_load %arg14[%swap3A_328] {strides = array<i32>} : memref<320xi32, #tpu.memory_space<vmem>>, vector<16xi32>,
        tpu.vector_store %arg14[%swap3A_328], %add3A_323 {strides = array<i32>} : memref<320xi32, #tpu.memory_space<vmem>>, vector<16xi32>,
        %add3A_330 = arith.constant 64 : i32
        %add3A_331 = arith.addi %mul3A_167, %add3A_330 : i32
        %add3A_332 = arith.constant 32 : i32
        %add3A_333 = arith.addi %add3A_331, %add3A_332 : i32
        %add3A_334 = arith.constant 0 : i32
        %add3A_335 = arith.addi %add3A_333, %add3A_334 : i32
        %swap3A_336 = arith.index_cast %add3A_335 : i32 to index
        %swap3A_337 = tpu.vector_load %arg14[%swap3A_336] {strides = array<i32>} : memref<320xi32, #tpu.memory_space<vmem>>, vector<16xi32>,
        tpu.vector_store %arg14[%swap3A_336], %get3A_308 {strides = array<i32>} : memref<320xi32, #tpu.memory_space<vmem>>, vector<16xi32>,
        %convert_element_type3A_338 = arith.sitofp %convert_element_type3A_304 : vector<16xi32> to vector<16xf32>
        %sub3A_339 = arith.subf %mul3A_303, %convert_element_type3A_338 : vector<16xf32>
        %bitcast3A_340 = vector.bitcast %sub3A_339 : vector<16xf32> to vector<16xi32>
        %add3A_341 = arith.constant 64 : i32
        %add3A_342 = arith.addi %mul3A_167, %add3A_341 : i32
        %add3A_343 = arith.constant 64 : i32
        %add3A_344 = arith.addi %add3A_342, %add3A_343 : i32
        %add3A_345 = arith.constant 0 : i32
        %add3A_346 = arith.addi %add3A_344, %add3A_345 : i32
        %swap3A_347 = arith.index_cast %add3A_346 : i32 to index
        %swap3A_348 = tpu.vector_load %arg14[%swap3A_347] {strides = array<i32>} : memref<320xi32, #tpu.memory_space<vmem>>, vector<16xi32>,
        tpu.vector_store %arg14[%swap3A_347], %bitcast3A_340 {strides = array<i32>} : memref<320xi32, #tpu.memory_space<vmem>>, vector<16xi32>,
        %add3A_349 = arith.constant 16 : i32
        %add3A_350 = arith.addi %mul3A_214, %add3A_349 : i32
        %get3A_351 = arith.index_cast %add3A_350 : i32 to index
        %get3A_352 = tpu.vector_load %arg16[%get3A_351] {strides = array<i32>} : memref<2048xf32, #tpu.memory_space<vmem>>, vector<16xf32>,
        %max3A_353 = arith.constant 9.99999997E-7 : f32
        %max3A_354 = vector.broadcast %max3A_353 : f32 to vector<16xf32>
        %max3A_355 = arith.maximumf %get3A_352, %max3A_354 : vector<16xf32>
        %min3A_356 = arith.constant 0.999998986 : f32
        %min3A_357 = vector.broadcast %min3A_356 : f32 to vector<16xf32>
        %min3A_358 = arith.minimumf %max3A_355, %min3A_357 : vector<16xf32>
        %mul3A_359 = arith.constant 1.000000e+02 : f32
        %mul3A_360 = vector.broadcast %mul3A_359 : f32 to vector<16xf32>
        %mul3A_361 = arith.mulf %min3A_358, %mul3A_360 : vector<16xf32>
        %convert_element_type3A_362 = arith.fptosi %mul3A_361 : vector<16xf32> to vector<16xi32>
        %add3A_363 = arith.constant 16 : i32
        %add3A_364 = arith.addi %mul3A_214, %add3A_363 : i32
        %get3A_365 = arith.index_cast %add3A_364 : i32 to index
        %get3A_366 = tpu.vector_load %arg17[%get3A_365] {strides = array<i32>} : memref<2048xi32, #tpu.memory_space<vmem>>, vector<16xi32>,
        %add3A_367 = arith.constant 16 : i32
        %add3A_368 = vector.broadcast %add3A_367 : i32 to vector<16xi32>
        %add3A_369 = arith.addi %add3A_368, %iota3A : vector<16xi32>
        %rem3A_370 = arith.constant 16 : i32
        %rem3A_371 = vector.broadcast %rem3A_370 : i32 to vector<16xi32>
        %rem3A_372 = arith.remsi %add3A_369, %rem3A_371 : vector<16xi32>
        %add3A_373 = arith.constant 1 : i32
        %add3A_374 = vector.broadcast %add3A_373 : i32 to vector<16xi32>
        %add3A_375 = arith.addi %convert_element_type3A_362, %add3A_374 : vector<16xi32>
        %mul3A_376 = arith.muli %add3A_375, %get3A_366 : vector<16xi32>
        %mul3A_377 = arith.constant 102 : i32
        %mul3A_378 = vector.broadcast %mul3A_377 : i32 to vector<16xi32>
        %mul3A_379 = arith.muli %rem3A_372, %mul3A_378 : vector<16xi32>
        %add3A_380 = arith.addi %mul3A_376, %mul3A_379 : vector<16xi32>
        %add3A_381 = arith.addi %add3A_380, %get3A_17 : vector<16xi32>
        %add3A_382 = arith.constant 64 : i32
        %add3A_383 = arith.addi %mul3A_167, %add3A_382 : i32
        %add3A_384 = arith.constant 16 : i32
        %add3A_385 = arith.addi %add3A_383, %add3A_384 : i32
        %swap3A_386 = arith.index_cast %add3A_385 : i32 to index
        %swap3A_387 = tpu.vector_load %arg14[%swap3A_386] {strides = array<i32>} : memref<320xi32, #tpu.memory_space<vmem>>, vector<16xi32>,
        tpu.vector_store %arg14[%swap3A_386], %add3A_381 {strides = array<i32>} : memref<320xi32, #tpu.memory_space<vmem>>, vector<16xi32>,
        %add3A_388 = arith.constant 64 : i32
        %add3A_389 = arith.addi %mul3A_167, %add3A_388 : i32
        %add3A_390 = arith.constant 32 : i32
        %add3A_391 = arith.addi %add3A_389, %add3A_390 : i32
        %add3A_392 = arith.constant 16 : i32
        %add3A_393 = arith.addi %add3A_391, %add3A_392 : i32
        %swap3A_394 = arith.index_cast %add3A_393 : i32 to index
        %swap3A_395 = tpu.vector_load %arg14[%swap3A_394] {strides = array<i32>} : memref<320xi32, #tpu.memory_space<vmem>>, vector<16xi32>,
        tpu.vector_store %arg14[%swap3A_394], %get3A_366 {strides = array<i32>} : memref<320xi32, #tpu.memory_space<vmem>>, vector<16xi32>,
        %convert_element_type3A_396 = arith.sitofp %convert_element_type3A_362 : vector<16xi32> to vector<16xf32>
        %sub3A_397 = arith.subf %mul3A_361, %convert_element_type3A_396 : vector<16xf32>
        %bitcast3A_398 = vector.bitcast %sub3A_397 : vector<16xf32> to vector<16xi32>
        %add3A_399 = arith.constant 64 : i32
        %add3A_400 = arith.addi %mul3A_167, %add3A_399 : i32
        %add3A_401 = arith.constant 64 : i32
        %add3A_402 = arith.addi %add3A_400, %add3A_401 : i32
        %add3A_403 = arith.constant 16 : i32
        %add3A_404 = arith.addi %add3A_402, %add3A_403 : i32
        %swap3A_405 = arith.index_cast %add3A_404 : i32 to index
        %swap3A_406 = tpu.vector_load %arg14[%swap3A_405] {strides = array<i32>} : memref<320xi32, #tpu.memory_space<vmem>>, vector<16xi32>,
        tpu.vector_store %arg14[%swap3A_405], %bitcast3A_398 {strides = array<i32>} : memref<320xi32, #tpu.memory_space<vmem>>, vector<16xi32>,
        "tpu.region"() ({
          %run_scoped3A = tpu.sem_alloc : memref<!tpu.dma_semaphore, #tpu.memory_space<semaphore_mem>>
          %dma_start3A = tpu.memref_slice %arg14[%mul3A_167] : memref<320xi32, #tpu.memory_space<vmem>> -> memref<160xi32, #tpu.memory_space<vmem>>
          %dma_start3A_407 = tpu.memref_slice %arg25[%mul3A_2] : memref<2560xi32, #tpu.memory_space<vmem_shared>> -> memref<160xi32, #tpu.memory_space<vmem_shared>>
          %dma_start3A_408 = tpu.memref_slice %arg25[%mul3A_2] : memref<2560xi32, #tpu.memory_space<vmem_shared>> -> memref<160xi32, #tpu.memory_space<vmem_shared>>
          %dma_start3A_409 = tpu.memref_slice %arg14[%mul3A_167] : memref<320xi32, #tpu.memory_space<vmem>> -> memref<160xi32, #tpu.memory_space<vmem>>
          tpu.enqueue_dma source(%dma_start3A_409 : memref<160xi32, #tpu.memory_space<vmem>>) target(%dma_start3A_408 : memref<160xi32, #tpu.memory_space<vmem_shared>>) target_semaphore(%run_scoped3A : memref<!tpu.dma_semaphore, #tpu.memory_space<semaphore_mem>>)
          %dma_wait3A = tpu.memref_slice %arg14[%mul3A_167] : memref<320xi32, #tpu.memory_space<vmem>> -> memref<160xi32, #tpu.memory_space<vmem>>
          %dma_wait3A_410 = tpu.memref_slice %arg25[%mul3A_2] : memref<2560xi32, #tpu.memory_space<vmem_shared>> -> memref<160xi32, #tpu.memory_space<vmem_shared>>
          %dma_wait3A_411 = tpu.memref_slice %arg25[%mul3A_2] : memref<2560xi32, #tpu.memory_space<vmem_shared>> -> memref<160xi32, #tpu.memory_space<vmem_shared>>
          %dma_wait3A_412 = tpu.memref_slice %arg14[%mul3A_167] : memref<320xi32, #tpu.memory_space<vmem>> -> memref<160xi32, #tpu.memory_space<vmem>>
          tpu.wait_dma2 semaphore(%run_scoped3A : memref<!tpu.dma_semaphore, #tpu.memory_space<semaphore_mem>>) src(%dma_wait3A_412 : memref<160xi32, #tpu.memory_space<vmem>>) dst(%dma_wait3A_411 : memref<160xi32, #tpu.memory_space<vmem_shared>>)
          tpu.yield
        }) : () -> ()
        "tpu.region"() ({
          %run_scoped3A = tpu.sem_alloc : memref<!tpu.dma_semaphore, #tpu.memory_space<semaphore_mem>>
          %dma_start3A = tpu.memref_slice %arg26[%mul3A_167] : memref<320xi32, #tpu.memory_space<smem>> -> memref<160xi32, #tpu.memory_space<smem>>
          %dma_start3A_407 = tpu.memref_slice %arg25[%mul3A_2] : memref<2560xi32, #tpu.memory_space<vmem_shared>> -> memref<160xi32, #tpu.memory_space<vmem_shared>>
          tpu.enqueue_dma source(%dma_start3A_407 : memref<160xi32, #tpu.memory_space<vmem_shared>>) target(%dma_start3A : memref<160xi32, #tpu.memory_space<smem>>) target_semaphore(%run_scoped3A : memref<!tpu.dma_semaphore, #tpu.memory_space<semaphore_mem>>)
          %dma_wait3A = tpu.memref_slice %arg26[%mul3A_167] : memref<320xi32, #tpu.memory_space<smem>> -> memref<160xi32, #tpu.memory_space<smem>>
          %dma_wait3A_408 = tpu.memref_slice %arg25[%mul3A_2] : memref<2560xi32, #tpu.memory_space<vmem_shared>> -> memref<160xi32, #tpu.memory_space<vmem_shared>>
          tpu.wait_dma2 semaphore(%run_scoped3A : memref<!tpu.dma_semaphore, #tpu.memory_space<semaphore_mem>>) src(%dma_wait3A_408 : memref<160xi32, #tpu.memory_space<vmem_shared>>) dst(%dma_wait3A : memref<160xi32, #tpu.memory_space<smem>>)
          tpu.yield
        }) : () -> ()
      } else {
      }
      tpu.wait_dma2 semaphore(%arg27 : memref<!tpu.dma_semaphore, #tpu.memory_space<semaphore_mem>>) src(%arg11 : memref<52x8x32xf32, #tpu.memory_space<hbm>>) dst(%arg18 : memref<52x8x32xf32, #tpu.memory_space<vmem>>)
      %scan3A_189 = arith.constant 0 : i32
      %scan3A_190 = arith.constant 0 : i32
      %scan3A_191 = arith.constant 0 : i32
      %scan3A_192 = arith.constant 0 : i32
      %scan3A_193 = arith.constant 52 : i32
      %scan3A_194 = arith.addi %scan3A_192, %scan3A_193 : i32
      %scan3A_195 = arith.constant 1 : i32
      %scan3A_196:3 = scf.for %scan3A_209 = %scan3A_192 to %scan3A_194 step %scan3A_195 iter_args(%scan3A_210 = %scan3A_189, %scan3A_211 = %scan3A_190, %scan3A_212 = %scan3A_191) -> (i32, i32, i32)  : i32 {
        %add3A_213 = arith.addi %mul3A_161, %scan3A_211 : i32
        %get3A_214 = arith.index_cast %add3A_213 : i32 to index
        %get3A_215 = memref.load %arg26[%get3A_214] : memref<320xi32, #tpu.memory_space<smem>>
        %lt3A_216 = arith.constant 2600016 : i32
        %lt3A_217 = arith.cmpi slt, %get3A_215, %lt3A_216 : i32
        %broadcast_in_dim3A = vector.broadcast %scan3A_209 : i32 to vector<16xi32>
        %and3A = arith.constant 7 : i32
        %and3A_218 = arith.andi %get3A_215, %and3A : i32
        %broadcast_in_dim3A_219 = vector.broadcast %and3A_218 : i32 to vector<16xi32>
        %sub3A_220 = arith.constant 2600016 : i32
        %sub3A_221 = arith.subi %get3A_215, %sub3A_220 : i32
        %max3A_222 = arith.constant 0 : i32
        %max3A_223 = arith.maxsi %sub3A_221, %max3A_222 : i32
        %mul3A_224 = arith.constant 32 : i32
        %mul3A_225 = arith.muli %max3A_223, %mul3A_224 : i32
        %add3A_226 = arith.constant 0 : i32
        %add3A_227 = vector.broadcast %add3A_226 : i32 to vector<16xi32>
        %add3A_228 = arith.addi %add3A_227, %iota3A : vector<16xi32>
        %gather3A = tpu.vector_load_idx %arg18[%broadcast_in_dim3A, %broadcast_in_dim3A_219, %add3A_228] : memref<52x8x32xf32, #tpu.memory_space<vmem>>[vector<16xi32>, vector<16xi32>, vector<16xi32>], vector<16xf32>,
        %add3A_229 = arith.constant 0 : i32
        %add3A_230 = arith.addi %mul3A_225, %add3A_229 : i32
        %add3A_231 = vector.broadcast %add3A_230 : i32 to vector<16xi32>
        %add3A_232 = arith.addi %add3A_231, %iota3A : vector<16xi32>
        %gather3A_233 = tpu.vector_load_idx %arg20[%add3A_232] : memref<512xf32, #tpu.memory_space<vmem>>[vector<16xi32>], vector<16xf32>,
        %select_n3A = arith.select %lt3A_217, %gather3A, %gather3A_233 : vector<16xf32>
        %add3A_234 = arith.constant 0 : i32
        %add3A_235 = arith.addi %scan3A_212, %add3A_234 : i32
        %swap3A_236 = arith.index_cast %add3A_235 : i32 to index
        %swap3A_237 = tpu.vector_load %arg22[%swap3A_236] {strides = array<i32>} : memref<2496xf32, #tpu.memory_space<vmem>>, vector<16xf32>,
        tpu.vector_store %arg22[%swap3A_236], %select_n3A {strides = array<i32>} : memref<2496xf32, #tpu.memory_space<vmem>>, vector<16xf32>,
        %add3A_238 = arith.constant 16 : i32
        %add3A_239 = vector.broadcast %add3A_238 : i32 to vector<16xi32>
        %add3A_240 = arith.addi %add3A_239, %iota3A : vector<16xi32>
        %gather3A_241 = tpu.vector_load_idx %arg18[%broadcast_in_dim3A, %broadcast_in_dim3A_219, %add3A_240] : memref<52x8x32xf32, #tpu.memory_space<vmem>>[vector<16xi32>, vector<16xi32>, vector<16xi32>], vector<16xf32>,
        %add3A_242 = arith.constant 16 : i32
        %add3A_243 = arith.addi %mul3A_225, %add3A_242 : i32
        %add3A_244 = vector.broadcast %add3A_243 : i32 to vector<16xi32>
        %add3A_245 = arith.addi %add3A_244, %iota3A : vector<16xi32>
        %gather3A_246 = tpu.vector_load_idx %arg20[%add3A_245] : memref<512xf32, #tpu.memory_space<vmem>>[vector<16xi32>], vector<16xf32>,
        %select_n3A_247 = arith.select %lt3A_217, %gather3A_241, %gather3A_246 : vector<16xf32>
        %add3A_248 = arith.constant 16 : i32
        %add3A_249 = arith.addi %scan3A_212, %add3A_248 : i32
        %swap3A_250 = arith.index_cast %add3A_249 : i32 to index
        %swap3A_251 = tpu.vector_load %arg22[%swap3A_250] {strides = array<i32>} : memref<2496xf32, #tpu.memory_space<vmem>>, vector<16xf32>,
        tpu.vector_store %arg22[%swap3A_250], %select_n3A_247 {strides = array<i32>} : memref<2496xf32, #tpu.memory_space<vmem>>, vector<16xf32>,
        %eq3A = arith.constant 25 : i32
        %eq3A_252 = arith.cmpi eq, %scan3A_210, %eq3A : i32
        %add3A_253 = arith.constant 1 : i32
        %add3A_254 = arith.addi %scan3A_210, %add3A_253 : i32
        %jit3A = arith.constant 0 : i32
        %select_n3A_255 = arith.select %eq3A_252, %jit3A, %add3A_254 : i32
        %add3A_256 = arith.constant 32 : i32
        %add3A_257 = arith.addi %scan3A_211, %add3A_256 : i32
        %sub3A_258 = arith.constant 26 : i32
        %sub3A_259 = arith.subi %add3A_257, %sub3A_258 : i32
        %add3A_260 = arith.constant 1 : i32
        %add3A_261 = arith.addi %sub3A_259, %add3A_260 : i32
        %add3A_262 = arith.constant 1 : i32
        %add3A_263 = arith.addi %scan3A_211, %add3A_262 : i32
        %select_n3A_264 = arith.select %eq3A_252, %add3A_261, %add3A_263 : i32
        %add3A_265 = arith.constant 448 : i32
        %add3A_266 = arith.addi %scan3A_212, %add3A_265 : i32
        %add3A_267 = arith.constant 32 : i32
        %add3A_268 = arith.addi %scan3A_212, %add3A_267 : i32
        %select_n3A_269 = arith.select %eq3A_252, %add3A_266, %add3A_268 : i32
        scf.yield %select_n3A_255, %select_n3A_264, %select_n3A_269 : i32, i32, i32
      }
      %scan3A_197 = arith.constant 52 : i32
      tpu.wait_dma2 semaphore(%arg28 : memref<!tpu.dma_semaphore, #tpu.memory_space<semaphore_mem>>) src(%arg12 : memref<26x16x32xf32, #tpu.memory_space<hbm>>) dst(%arg19 : memref<26x16x32xf32, #tpu.memory_space<vmem>>)
      %scan3A_198 = arith.constant 0 : i32
      %scan3A_199 = arith.constant 0 : i32
      %scan3A_200 = arith.constant 832 : i32
      %scan3A_201 = arith.constant 0 : i32
      %scan3A_202 = arith.constant 26 : i32
      %scan3A_203 = arith.addi %scan3A_201, %scan3A_202 : i32
      %scan3A_204 = arith.constant 1 : i32
      %scan3A_205:3 = scf.for %scan3A_209 = %scan3A_201 to %scan3A_203 step %scan3A_204 iter_args(%scan3A_210 = %scan3A_198, %scan3A_211 = %scan3A_199, %scan3A_212 = %scan3A_200) -> (i32, i32, i32)  : i32 {
        %add3A_213 = arith.constant 64 : i32
        %add3A_214 = arith.addi %mul3A_161, %add3A_213 : i32
        %add3A_215 = arith.addi %add3A_214, %scan3A_211 : i32
        %get3A_216 = arith.index_cast %add3A_215 : i32 to index
        %get3A_217 = memref.load %arg26[%get3A_216] : memref<320xi32, #tpu.memory_space<smem>>
        %add3A_218 = arith.constant 64 : i32
        %add3A_219 = arith.addi %mul3A_161, %add3A_218 : i32
        %add3A_220 = arith.constant 32 : i32
        %add3A_221 = arith.addi %add3A_219, %add3A_220 : i32
        %add3A_222 = arith.addi %add3A_221, %scan3A_211 : i32
        %get3A_223 = arith.index_cast %add3A_222 : i32 to index
        %get3A_224 = memref.load %arg26[%get3A_223] : memref<320xi32, #tpu.memory_space<smem>>
        %add3A_225 = arith.constant 64 : i32
        %add3A_226 = arith.addi %mul3A_161, %add3A_225 : i32
        %add3A_227 = arith.constant 64 : i32
        %add3A_228 = arith.addi %add3A_226, %add3A_227 : i32
        %add3A_229 = arith.addi %add3A_228, %scan3A_211 : i32
        %get3A_230 = arith.index_cast %add3A_229 : i32 to index
        %get3A_231 = memref.load %arg26[%get3A_230] : memref<320xi32, #tpu.memory_space<smem>>
        %bitcast_convert_type3A = arith.bitcast %get3A_231 : i32 to f32
        %lt3A_232 = arith.constant 1304 : i32
        %lt3A_233 = arith.cmpi slt, %get3A_217, %lt3A_232 : i32
        %jit3A = arith.constant 8 : i32
        %div3A = arith.divsi %get3A_217, %jit3A : i32
        %sign3A = arith.constant 0 : i32
        %sign3A_234 = arith.cmpi sgt, %get3A_217, %sign3A : i32
        %sign3A_235 = arith.extui %sign3A_234 : i1 to i32
        %sign3A_236 = arith.constant 0 : i32
        %sign3A_237 = arith.cmpi slt, %get3A_217, %sign3A_236 : i32
        %sign3A_238 = arith.extui %sign3A_237 : i1 to i32
        %sign3A_239 = arith.subi %sign3A_235, %sign3A_238 : i32
        %sign3A_240 = arith.constant 0 : i32
        %sign3A_241 = arith.cmpi sgt, %jit3A, %sign3A_240 : i32
        %sign3A_242 = arith.extui %sign3A_241 : i1 to i32
        %sign3A_243 = arith.constant 0 : i32
        %sign3A_244 = arith.cmpi slt, %jit3A, %sign3A_243 : i32
        %sign3A_245 = arith.extui %sign3A_244 : i1 to i32
        %sign3A_246 = arith.subi %sign3A_242, %sign3A_245 : i32
        %ne3A = arith.cmpi ne, %sign3A_239, %sign3A_246 : i32
        %rem3A_247 = arith.remsi %get3A_217, %jit3A : i32
        %ne3A_248 = arith.constant 0 : i32
        %ne3A_249 = arith.cmpi ne, %rem3A_247, %ne3A_248 : i32
        %and3A = arith.andi %ne3A, %ne3A_249 : i1
        %sub3A_250 = arith.constant 1 : i32
        %sub3A_251 = arith.subi %div3A, %sub3A_250 : i32
        %select_n3A = arith.select %and3A, %sub3A_251, %div3A : i32
        %mul3A_252 = arith.constant 8 : i32
        %mul3A_253 = arith.muli %select_n3A, %mul3A_252 : i32
        %jit3A_254 = arith.constant 0 : i32
        %select_n3A_255 = arith.select %lt3A_233, %mul3A_253, %jit3A_254 : i32
        %broadcast_in_dim3A = vector.broadcast %scan3A_209 : i32 to vector<16xi32>
        %sub3A_256 = arith.subi %get3A_217, %select_n3A_255 : i32
        %min3A_257 = arith.constant 15 : i32
        %min3A_258 = arith.minsi %sub3A_256, %min3A_257 : i32
        %broadcast_in_dim3A_259 = vector.broadcast %min3A_258 : i32 to vector<16xi32>
        %sub3A_260 = arith.subi %get3A_217, %select_n3A_255 : i32
        %add3A_261 = arith.addi %sub3A_260, %get3A_224 : i32
        %min3A_262 = arith.constant 15 : i32
        %min3A_263 = arith.minsi %add3A_261, %min3A_262 : i32
        %broadcast_in_dim3A_264 = vector.broadcast %min3A_263 : i32 to vector<16xi32>
        %sub3A_265 = arith.constant 1304 : i32
        %sub3A_266 = arith.subi %get3A_217, %sub3A_265 : i32
        %max3A_267 = arith.constant 0 : i32
        %max3A_268 = arith.maxsi %sub3A_266, %max3A_267 : i32
        %mul3A_269 = arith.constant 32 : i32
        %mul3A_270 = arith.muli %max3A_268, %mul3A_269 : i32
        %add3A_271 = arith.addi %get3A_217, %get3A_224 : i32
        %sub3A_272 = arith.constant 1304 : i32
        %sub3A_273 = arith.subi %add3A_271, %sub3A_272 : i32
        %max3A_274 = arith.constant 0 : i32
        %max3A_275 = arith.maxsi %sub3A_273, %max3A_274 : i32
        %mul3A_276 = arith.constant 32 : i32
        %mul3A_277 = arith.muli %max3A_275, %mul3A_276 : i32
        %add3A_278 = arith.constant 0 : i32
        %add3A_279 = vector.broadcast %add3A_278 : i32 to vector<16xi32>
        %add3A_280 = arith.addi %add3A_279, %iota3A : vector<16xi32>
        %gather3A = tpu.vector_load_idx %arg19[%broadcast_in_dim3A, %broadcast_in_dim3A_259, %add3A_280] : memref<26x16x32xf32, #tpu.memory_space<vmem>>[vector<16xi32>, vector<16xi32>, vector<16xi32>], vector<16xf32>,
        %add3A_281 = arith.constant 0 : i32
        %add3A_282 = vector.broadcast %add3A_281 : i32 to vector<16xi32>
        %add3A_283 = arith.addi %add3A_282, %iota3A : vector<16xi32>
        %gather3A_284 = tpu.vector_load_idx %arg19[%broadcast_in_dim3A, %broadcast_in_dim3A_264, %add3A_283] : memref<26x16x32xf32, #tpu.memory_space<vmem>>[vector<16xi32>, vector<16xi32>, vector<16xi32>], vector<16xf32>,
        %add3A_285 = arith.constant 0 : i32
        %add3A_286 = arith.addi %mul3A_270, %add3A_285 : i32
        %add3A_287 = vector.broadcast %add3A_286 : i32 to vector<16xi32>
        %add3A_288 = arith.addi %add3A_287, %iota3A : vector<16xi32>
        %gather3A_289 = tpu.vector_load_idx %arg21[%add3A_288] : memref<768xf32, #tpu.memory_space<vmem>>[vector<16xi32>], vector<16xf32>,
        %add3A_290 = arith.constant 0 : i32
        %add3A_291 = arith.addi %mul3A_277, %add3A_290 : i32
        %add3A_292 = vector.broadcast %add3A_291 : i32 to vector<16xi32>
        %add3A_293 = arith.addi %add3A_292, %iota3A : vector<16xi32>
        %gather3A_294 = tpu.vector_load_idx %arg21[%add3A_293] : memref<768xf32, #tpu.memory_space<vmem>>[vector<16xi32>], vector<16xf32>,
        %select_n3A_295 = arith.select %lt3A_233, %gather3A, %gather3A_289 : vector<16xf32>
        %select_n3A_296 = arith.select %lt3A_233, %gather3A_284, %gather3A_294 : vector<16xf32>
        %sub3A_297 = arith.subf %select_n3A_296, %select_n3A_295 : vector<16xf32>
        %mul3A_298 = vector.broadcast %bitcast_convert_type3A : f32 to vector<16xf32>
        %mul3A_299 = arith.mulf %mul3A_298, %sub3A_297 : vector<16xf32>
        %add3A_300 = arith.addf %select_n3A_295, %mul3A_299 : vector<16xf32>
        %add3A_301 = arith.constant 0 : i32
        %add3A_302 = arith.addi %scan3A_212, %add3A_301 : i32
        %swap3A_303 = arith.index_cast %add3A_302 : i32 to index
        %swap3A_304 = tpu.vector_load %arg22[%swap3A_303] {strides = array<i32>} : memref<2496xf32, #tpu.memory_space<vmem>>, vector<16xf32>,
        tpu.vector_store %arg22[%swap3A_303], %add3A_300 {strides = array<i32>} : memref<2496xf32, #tpu.memory_space<vmem>>, vector<16xf32>,
        %add3A_305 = arith.constant 16 : i32
        %add3A_306 = vector.broadcast %add3A_305 : i32 to vector<16xi32>
        %add3A_307 = arith.addi %add3A_306, %iota3A : vector<16xi32>
        %gather3A_308 = tpu.vector_load_idx %arg19[%broadcast_in_dim3A, %broadcast_in_dim3A_259, %add3A_307] : memref<26x16x32xf32, #tpu.memory_space<vmem>>[vector<16xi32>, vector<16xi32>, vector<16xi32>], vector<16xf32>,
        %add3A_309 = arith.constant 16 : i32
        %add3A_310 = vector.broadcast %add3A_309 : i32 to vector<16xi32>
        %add3A_311 = arith.addi %add3A_310, %iota3A : vector<16xi32>
        %gather3A_312 = tpu.vector_load_idx %arg19[%broadcast_in_dim3A, %broadcast_in_dim3A_264, %add3A_311] : memref<26x16x32xf32, #tpu.memory_space<vmem>>[vector<16xi32>, vector<16xi32>, vector<16xi32>], vector<16xf32>,
        %add3A_313 = arith.constant 16 : i32
        %add3A_314 = arith.addi %mul3A_270, %add3A_313 : i32
        %add3A_315 = vector.broadcast %add3A_314 : i32 to vector<16xi32>
        %add3A_316 = arith.addi %add3A_315, %iota3A : vector<16xi32>
        %gather3A_317 = tpu.vector_load_idx %arg21[%add3A_316] : memref<768xf32, #tpu.memory_space<vmem>>[vector<16xi32>], vector<16xf32>,
        %add3A_318 = arith.constant 16 : i32
        %add3A_319 = arith.addi %mul3A_277, %add3A_318 : i32
        %add3A_320 = vector.broadcast %add3A_319 : i32 to vector<16xi32>
        %add3A_321 = arith.addi %add3A_320, %iota3A : vector<16xi32>
        %gather3A_322 = tpu.vector_load_idx %arg21[%add3A_321] : memref<768xf32, #tpu.memory_space<vmem>>[vector<16xi32>], vector<16xf32>,
        %select_n3A_323 = arith.select %lt3A_233, %gather3A_308, %gather3A_317 : vector<16xf32>
        %select_n3A_324 = arith.select %lt3A_233, %gather3A_312, %gather3A_322 : vector<16xf32>
        %sub3A_325 = arith.subf %select_n3A_324, %select_n3A_323 : vector<16xf32>
        %mul3A_326 = vector.broadcast %bitcast_convert_type3A : f32 to vector<16xf32>
        %mul3A_327 = arith.mulf %mul3A_326, %sub3A_325 : vector<16xf32>
        %add3A_328 = arith.addf %select_n3A_323, %mul3A_327 : vector<16xf32>
        %add3A_329 = arith.constant 16 : i32
        %add3A_330 = arith.addi %scan3A_212, %add3A_329 : i32
        %swap3A_331 = arith.index_cast %add3A_330 : i32 to index
        %swap3A_332 = tpu.vector_load %arg22[%swap3A_331] {strides = array<i32>} : memref<2496xf32, #tpu.memory_space<vmem>>, vector<16xf32>,
        tpu.vector_store %arg22[%swap3A_331], %add3A_328 {strides = array<i32>} : memref<2496xf32, #tpu.memory_space<vmem>>, vector<16xf32>,
        %eq3A = arith.constant 12 : i32
        %eq3A_333 = arith.cmpi eq, %scan3A_210, %eq3A : i32
        %add3A_334 = arith.constant 1 : i32
        %add3A_335 = arith.addi %scan3A_210, %add3A_334 : i32
        %jit3A_336 = arith.constant 0 : i32
        %select_n3A_337 = arith.select %eq3A_333, %jit3A_336, %add3A_335 : i32
        %add3A_338 = arith.constant 16 : i32
        %add3A_339 = arith.addi %scan3A_211, %add3A_338 : i32
        %sub3A_340 = arith.constant 13 : i32
        %sub3A_341 = arith.subi %add3A_339, %sub3A_340 : i32
        %add3A_342 = arith.constant 1 : i32
        %add3A_343 = arith.addi %sub3A_341, %add3A_342 : i32
        %add3A_344 = arith.constant 1 : i32
        %add3A_345 = arith.addi %scan3A_211, %add3A_344 : i32
        %select_n3A_346 = arith.select %eq3A_333, %add3A_343, %add3A_345 : i32
        %add3A_347 = arith.constant 864 : i32
        %add3A_348 = arith.addi %scan3A_212, %add3A_347 : i32
        %add3A_349 = arith.constant 32 : i32
        %add3A_350 = arith.addi %scan3A_212, %add3A_349 : i32
        %select_n3A_351 = arith.select %eq3A_333, %add3A_348, %add3A_350 : i32
        scf.yield %select_n3A_337, %select_n3A_346, %select_n3A_351 : i32, i32, i32
      }
      %scan3A_206 = arith.constant 26 : i32
      %mul3A_207 = arith.constant 1248 : i32
      %mul3A_208 = arith.muli %add3A_157, %mul3A_207 : i32
      "tpu.region"() ({
        %run_scoped3A = tpu.sem_alloc : memref<!tpu.dma_semaphore, #tpu.memory_space<semaphore_mem>>
        %dma_start3A = tpu.memref_slice %arg13[%mul3A_208] : memref<5111808xf32, #tpu.memory_space<hbm>> -> memref<2496xf32, #tpu.memory_space<hbm>>
        %dma_start3A_209 = tpu.memref_slice %arg13[%mul3A_208] : memref<5111808xf32, #tpu.memory_space<hbm>> -> memref<2496xf32, #tpu.memory_space<hbm>>
        tpu.enqueue_dma source(%arg22 : memref<2496xf32, #tpu.memory_space<vmem>>) target(%dma_start3A_209 : memref<2496xf32, #tpu.memory_space<hbm>>) target_semaphore(%run_scoped3A : memref<!tpu.dma_semaphore, #tpu.memory_space<semaphore_mem>>)
        %dma_wait3A = tpu.memref_slice %arg13[%mul3A_208] : memref<5111808xf32, #tpu.memory_space<hbm>> -> memref<2496xf32, #tpu.memory_space<hbm>>
        %dma_wait3A_210 = tpu.memref_slice %arg13[%mul3A_208] : memref<5111808xf32, #tpu.memory_space<hbm>> -> memref<2496xf32, #tpu.memory_space<hbm>>
        tpu.wait_dma2 semaphore(%run_scoped3A : memref<!tpu.dma_semaphore, #tpu.memory_space<semaphore_mem>>) src(%arg22 : memref<2496xf32, #tpu.memory_space<vmem>>) dst(%dma_wait3A_210 : memref<2496xf32, #tpu.memory_space<hbm>>)
        tpu.yield
      }) : () -> ()
    }
    %scan3A_151 = arith.constant 64 : i32
    return
  }
}

</mosaic_0001>

<sc_bundles>
// kernel: kernel.3.cloned.1.call-start
scs
__scs_entry_jumppad:
0x0: {  	(pc) =	sbr.rel $0x88, $3  }
0x1: {  	(tag) =	ssettag $0x0;
	lr =	simm.s32 $0x1  }
0x2: {  	[smem:$0x3F9B] =	sst lr;
	_ =	strace $0xD0000000  }
0x3: {  	_ = 	snop  }
0x4: {  	_ = 	snop  }
0x5: {  	_ = 	snop  }
0x6: {  	_ = 	snop  }
0x7: {  	_ = 	snop  }
__scs_overlays_trampoline_lowered:
0x8: {  	[smem:$0x3FAA] =	sst s0  }
0x9: {  	[smem:$0x3FAB] =	sst s1  }
0xa: {  	[smem:$0x3FAC] =	sst s2  }
0xb: {  	[smem:$0x3FAD] =	sst s3  }
0xc: {  	[smem:$0x3FAE] =	sst s4  }
0xd: {  	[smem:$0x3FAF] =	sst s5  }
0xe: {  	[smem:$0x3FB0] =	sst s6  }
0xf: {  	[smem:$0x3FB1] =	sst s7  }
0x10: {  	[smem:$0x3FB2] =	sst s8  }
0x11: {  	[smem:$0x3FB3] =	sst s9;
	s0 =	simm.s32 @!p0 $0x0  }
0x12: {  	s1 =	sld [smem:$0x3F99];
	s0 =	simm.s32 @p0 $0x1  }
0x13: {  	[smem:$0x3FB4] =	sst s0;
	s0 =	simm.s32 @!p1 $0x0  }
0x14: {  	s2 =	sld [smem:$0x3F98];
	s0 =	simm.s32 @p1 $0x1  }
0x15: {  	[smem:$0x3FB5] =	sst s0;
	s0 =	simm.s32 @!p2 $0x0  }
0x16: {  	s3 =	sld [smem:$0x3FDB];
	s0 =	simm.s32 @p2 $0x1  }
0x17: {  	s4 =	simm.s32 $0x1BF5;
	[smem:$0x3FB7] =	sst s0  }
0x18: {  	s0 =	sld [smem:$0x3F9A];
	_ =	swait.ge [sflag:s4], $0x0  }
0x19: {  	s7 =	sld [smem:$0x3F9B]  }
0x1a: {  	s8 =	sadd.s32 $0xFFFFE003, lr  }
0x1b: {  	s9 =	sadd.s32 $0xFFFFFEF7, lr;
	s5 =	simm.s32 $0xFFFFFFFF;
	p2 =	slt.u32 s8, $0xFFFFF086  }
0x1c: {  	p1 =	slt.u32 s9, $0xF7A;
	s5 =	simm.s32 @!p2 $0x0  }
0x1d: {  	s5 =	simm.s32 @p1 $0x1;
	p0 =	seq.s32 s7, s2  }
0x1e: {  	s7 =	smul.u32 @!p0 $0xF7A, s2;
	p2 =	seq.s32 @!p0 s5, $0x0  }
0x1f: {  	s9 =	smul.u32 $0xF7A, s1;
	s8 =	simm.s32 @!p0 $0x1BF5;
	p2 =	por !p2, p0  }
0x20: {  	[sflag:s8] =	ssyncset.s32 @!p0 $0xFFFFF086;
	s6 =	sadd.s32 @!p0 s3, s7;
	s7 =	simm.s32 @!p0 $0x108  }
0x21: {  	s3 =	sadd.s32 s3, s9;
	s6 =	sadd.s32 @!p0 $0x88, s6;
	s7 =	simm.s32 @p2 $0x1082  }
0x22: {  	[simem:s7], [sflag:s8] =	dma.local @!p0 [hbm:s6], $0xF7A  }
0x23: {  	s9 =	sor.u32 $0xD0000000, s2;
	s6 =	simm.s32 $0x108;
	_ =	swait.ge @!p0 [sflag:s8], $0x0  }
0x24: {  	s3 =	sadd.s32 $0x88, s3;
	s6 =	simm.s32 @!p1 $0x1082;
	[sflag:s4] =	ssyncset.s32 $0xFFFFF086  }
0x25: {  	[simem:s6], [sflag:s4] =	dma.local [hbm:s3], $0xF7A  }
0x26: {  	[smem:$0x3F9B] =	sst s1;
	(tag) =	ssettag s2;
	_ =	strace s9  }
0x27: {  	s1 =	sld [smem:$0x3FAB]  }
0x28: {  	s2 =	sld [smem:$0x3FAC]  }
0x29: {  	s4 =	sld [smem:$0x3FAE]  }
0x2a: {  	p0 =	seq.s32 s5, $0x0;
	s5 =	sld [smem:$0x3FAF]  }
0x2b: {  	s6 =	sld [smem:$0x3FB0]  }
0x2c: {  	s7 =	sld [smem:$0x3FB1]  }
0x2d: {  	s3 =	simm.s32 $0x108;
	s8 =	sld [smem:$0x3FB2]  }
0x2e: {  	s3 =	simm.s32 @!p0 $0x1082;
	s9 =	sld [smem:$0x3FB3]  }
0x2f: {  	lr =	sadd.s32 s0, s3;
	s0 =	sld [smem:$0x3FAA]  }
0x30: {  	s3 =	sld [smem:$0x3FAD]  }
0x31: {  	[smem:$0x3FB6] =	sst s10  }
0x32: {  	s10 =	sld [smem:$0x3FB4];
	_ =	sdelay $0x3  }
0x33: {  	p0 =	seq.s32 s10, $0x1;
	s10 =	sld [smem:$0x3FB6];
	_ =	sdelay $0x3  }
0x34: {  	[smem:$0x3FB6] =	sst s10  }
0x35: {  	s10 =	sld [smem:$0x3FB5];
	_ =	sdelay $0x3  }
0x36: {  	p1 =	seq.s32 s10, $0x1;
	s10 =	sld [smem:$0x3FB6];
	_ =	sdelay $0x3  }
0x37: {  	[smem:$0x3FB6] =	sst s10  }
0x38: {  	s10 =	sld [smem:$0x3FB7]  }
0x39: {  	_ = 	snop;
	(pc) =	sbr.ind lr, $3  }
0x3a: {  	_ = 	snop  }
0x3b: {  	_ = 	snop  }
0x3c: {  	p2 =	seq.s32 s10, $0x1;
	s10 =	sld [smem:$0x3FB6]  }
0x3d: {  	_ =	shalt  }
0x3e: {  	_ =	shalt  }
0x3f: {  	_ =	shalt  }
0x40: {  	_ =	shalt  }
0x41: {  	_ =	shalt  }
0x42: {  	_ =	shalt  }
0x43: {  	_ =	shalt  }
0x44: {  	_ =	shalt  }
0x45: {  	_ =	shalt  }
0x46: {  	_ =	shalt  }
0x47: {  	_ =	shalt  }
0x48: {  	_ =	shalt  }
0x49: {  	_ =	shalt  }
0x4a: {  	_ =	shalt  }
0x4b: {  	_ =	shalt  }
0x4c: {  	_ =	shalt  }
0x4d: {  	_ =	shalt  }
0x4e: {  	_ =	shalt  }
0x4f: {  	_ =	shalt  }
0x50: {  	_ =	shalt  }
0x51: {  	_ =	shalt  }
0x52: {  	_ =	shalt  }
0x53: {  	_ =	shalt  }
0x54: {  	_ =	shalt  }
0x55: {  	_ =	shalt  }
0x56: {  	_ =	shalt  }
0x57: {  	_ =	shalt  }
0x58: {  	_ =	shalt  }
0x59: {  	_ =	shalt  }
0x5a: {  	_ =	shalt  }
0x5b: {  	_ =	shalt  }
0x5c: {  	_ =	shalt  }
0x5d: {  	_ =	shalt  }
0x5e: {  	_ =	shalt  }
0x5f: {  	_ =	shalt  }
0x60: {  	_ =	shalt  }
0x61: {  	_ =	shalt  }
0x62: {  	_ =	shalt  }
0x63: {  	_ =	shalt  }
0x64: {  	_ =	shalt  }
0x65: {  	_ =	shalt  }
0x66: {  	_ =	shalt  }
0x67: {  	_ =	shalt  }
0x68: {  	_ =	shalt  }
0x69: {  	_ =	shalt  }
0x6a: {  	_ =	shalt  }
0x6b: {  	_ =	shalt  }
0x6c: {  	_ =	shalt  }
0x6d: {  	_ =	shalt  }
0x6e: {  	_ =	shalt  }
0x6f: {  	_ =	shalt  }
0x70: {  	_ =	shalt  }
0x71: {  	_ =	shalt  }
0x72: {  	_ =	shalt  }
0x73: {  	_ =	shalt  }
0x74: {  	_ =	shalt  }
0x75: {  	_ =	shalt  }
0x76: {  	_ =	shalt  }
0x77: {  	_ =	shalt  }
0x78: {  	_ =	shalt  }
0x79: {  	_ =	shalt  }
0x7a: {  	_ =	shalt  }
0x7b: {  	_ =	shalt  }
0x7c: {  	_ =	shalt  }
0x7d: {  	_ =	shalt  }
0x7e: {  	_ =	shalt  }
0x7f: {  	_ =	shalt  }
0x80: {  	_ =	shalt  }
0x81: {  	_ =	shalt  }
0x82: {  	_ =	shalt  }
0x83: {  	_ =	shalt  }
0x84: {  	_ =	shalt  }
0x85: {  	_ =	shalt  }
0x86: {  	_ =	shalt  }
0x87: {  	_ =	shalt  }
.Lfunc_end0:
.L_simem_size_0:
called_computation_lowered:
.L_overlay_start_0:
0x88: {  	s2 =	sld [smem:$0x3FD9]  }
0x89: {  	s3 =	sld [smem:$0x3FFE];
	_ =	sdelay $0x1  }
0x8a: {  	s1 =	srdreg.scid  }
0x8b: {  	s0 =	sand.u32 $0x1, s1  }
0x8c: {  	s17 =	sshll.u32 s0, $0xA;
	s2 =	sadd.s32 s3, s2  }
0x8d: {  	s2 =	sadd.s32 s2, s17  }
0x8e: {  	[smem:$0x3FC2] =	sst s2  }
0x8f: {  	_ = 	snop  }
0x90: {  	s2 =	sld [smem:$0x3FD0];
	(tm) =	ssettm $0x1  }
0x91: {  	s18 =	sld [smem:$0x3FFB];
	_ =	sdelay $0x3  }
0x92: {  	_ =	strace s18  }
0x93: {  	s3 =	sld [smem:$0x3FFC];
	_ =	sdelay $0x3  }
0x94: {  	_ =	strace s3  }
0x95: {  	s3 =	sld [smem:$0x3FFD];
	_ =	sdelay $0x3  }
0x96: {  	_ =	strace s3  }
0x97: {  	_ =	strace $0x8FFFFFFF  }
0x98: {  	s19 =	sld [smem:$0x3FDB];
	_ =	sdelay $0x1  }
0x99: {  	s4 =	simm.s32 $_scs_section_size  }
0x9a: {  	s5 =	simm.s32 $_size__tile_overlayer_lowered;
	s6 =	simm.s32 $_tile_overlayer_lowered  }
0x9b: {  	s22 =	simm.s32 $0x1BFF;
	s21 =	sshll.u32 s6, $0x1;
	s3 =	sadd.s32 s4, s19  }
0x9c: {  	s7 =	simm.s32 $0x0;
	s20 =	sshll.u32 s5, $0x1;
	s5 =	sadd.s32 s21, s3  }
0x9d: {  	[timem:s7], [sflag:s22] =	dma.local [hbm:s5], s20  }
0x9e: {  	_ =	swait.ge [sflag:s22], s20  }
0x9f: {  	s4 =	ssub.s32 $0x0, s20;
	[sflag:s22] =	ssyncset.done $0x0  }
0xa0: {  	[sflag:s22] =	ssyncadd.s32 s4;
	_ =	sdelay $0x1  }
0xa1: {  	s23 =	simm.s32 $0x1B8B  }
0xa2: {  	_ =	swait.ge [sflag:s23], $0x1  }
0xa3: {  	[sflag:s23] =	ssyncset.done $0x0  }
0xa4: {  	s25 =	simm.s32 $0x1B8E;
	s24 =	sld [smem:$0x3FFE];
	[sflag:s23] =	ssyncadd.s32 $0xFFFFFFFF  }
0xa5: {  	s26 =	simm.s32 $execute0_lowered;
	[smem:$0x3FD2] =	sst s25  }
0xa6: {  	s5 =	sshll.u32 s26, $0x1;
	_ =	strace $0x80000046;
	[dreg:$0x1] =	wrdreg $0xFFFFFFFF  }
0xa7: {  	s28 =	simm.s32 $_size_execute0_lowered;
	s3 =	sadd.s32 s3, s5;
	[dreg:$0x0] =	wrdreg $0x0  }
0xa8: {  	s5 =	sshll.u32 s28, $0x1;
	[dreg:$0x2] =	wrdreg s3  }
0xa9: {  	[dreg:$0x3] =	wrdreg s5  }
0xaa: {  	[dreg:$0x4] =	wrdreg $0xC0  }
0xab: {  	_ =	task [dreg:s7], $0x5FFFF  }
0xac: {  	[dreg:$0x1] =	wrdreg $0xFFFFFFFF  }
0xad: {  	[dreg:$0x0] =	wrdreg $0x60  }
0xae: {  	[dreg:$0x2] =	wrdreg s24  }
0xaf: {  	[dreg:$0x3] =	wrdreg s2  }
0xb0: {  	[dreg:$0x4] =	wrdreg $0x1D1800  }
0xb1: {  	[dreg:$0x5] =	wrdreg $0x9  }
0xb2: {  	_ =	task.clear_ibuf [dreg:s7], $0x6FFFF;
	_ =	strace $0x90000046  }
0xb3: {  	s29 =	simm.s32 $0x9;
	_ =	strace $0x80000048  }
0xb4: {  	_ =	swait.ge [sflag:s29], $0x1  }
0xb5: {  	[sflag:s29] =	ssyncadd.s32 $0xFFFFFFFF  }
0xb6: {  	_ =	strace $0x90000048  }
0xb7: {  	_ =	sfence  }
0xb8: {  	s30 =	sld [smem:$0x0];
	_ =	sdelay $0x2  }
0xb9: {  	s31 =	sshll.u32 s1, $0xD;
	s1 =	sshrl.u32 s1, $0x2  }
0xba: {  	s3 =	sand.u32 $0x4000, s31;
	s1 =	sadd.s32 s1, s30  }
0xbb: {  	s0 =	sor.u32 s3, s0;
	s1 =	sshll.u32 s1, $0x11  }
0xbc: {  	s0 =	sor.u32 s1, s0  }
0xbd: {  	s0 =	sadd.s32 $0x8F2B, s0  }
0xbe: {  	[sflag:s0] =	ssyncadd.remote.s32 $0x1  }
0xbf: {  	_ =	sfence.sel $0xFFFF  }
0xc0: {  	[dreg:$0x0] =	wrdreg $0xFFFFFFFF;
	(pc) =	sbr.abs _section_cstart, $3  }
0xc1: {  	[dreg:$0x1] =	wrdreg $0xFFFFFFFF  }
0xc2: {  	_ =	task.clear_ibuf [dreg:s7], $0x2FFFF;
	_ =	strace $0x9FFFFFFF  }
0xc3: {  	(tm) =	ssettm $0x7FFFFFFF  }
tec
execute0_lowered:
.L_overlay_start_1:
0x0: {  	(tag) =	ssettag $0x1  }
0x1: {  	s0 =	rddreg [dreg:$0x0]  }
0x2: {  	s2 =	rddreg [dreg:$0x1]  }
0x3: {  	s1 =	rddreg [dreg:$0x2]  }
0x4: {  	s4 =	srdreg.scid;
	s10 =	stileid.u32;
	s3 =	simm.s32 $0x0  }
0x5: {  	s17 =	simm.s32 $0x3;
	s19 =	simm.s32 $0x1C180;
	s20 =	simm.s32 $0x1C380  }
0x6: {  	s31 =	simm.s32 $0x360;
	s28 =	simm.s32 $0xF180;
	s29 =	simm.s32 $0x1C680  }
0x7: {  	s4 =	sand.u32 $0x1, s4;
	[smem:$0x7FF] =	sst s3;
	s7 =	sadd.s32 $0x27BAC00, s0  }
0x8: {  	s22 =	sadd.s32 $0x27BAE00, s0;
	_ =	strace $0x80000047;
	[dreg:$0x7] =	wrdreg s7  }
0x9: {  	s5 =	sshll.u32 s10, $0x1;
	s11 =	sadd.s32 $0x27B2A00, s0;
	[dreg:$0x8] =	wrdreg s22  }
0xa: {  	s10 =	smul.u32 $0x280, s10;
	s5 =	sor.u32 s4, s5;
	[dreg:$0x9] =	wrdreg s11  }
0xb: {  	s7 =	sadd.s32 $0x1000, s0;
	s4 =	ssub.s32 $0x2, s4;
	[dreg:$0x6] =	wrdreg s31  }
0xc: {  	s6 =	sshll.u32 s5, $0x9;
	s21 =	sshll.u32 s5, $0x8;
	s23 =	sshrl.u32 s4, $0x1  }
0xd: {  	s25 =	sshrl.u32 s10, $0x2;
	s14 =	sshll.u32 s5, $0x7;
	s8 =	sadd.s32 s6, s0  }
0xe: {  	s9 =	sadd.s32 s21, s0;
	s6 =	sadd.s32 $0x6400, s0;
	s0 =	sadd.s32 $0xE00, s0  }
0xf: {  	s13 =	sadd.s32 s25, s1;
	[dreg:$0xa] =	wrdreg s0;
	s24 =	sadd.s32 $0x27B2C00, s8  }
0x10: {  	v0 =	vlaneseq.u32;
	s25 =	simm.s32 $0x2180;
	s26 =	sadd.s32 $0x27B6C00, s9;
	[dreg:$0xb] =	wrdreg s24  }
0x11: {  	v1 =	vmul.u32 $0x186A1, v0;
	s0 =	ssub.s32 s4, s23;
	s30 =	sadd.s32 $0x27B8C00, s9;
	[dreg:$0xc] =	wrdreg s26  }
0x12: {  	s1 =	simm.s32 $0x0;
	[dreg:$0xd] =	wrdreg s30;
	s0 =	smax.u32 s0, $0x1  }
0x13: {  	v3 =	vmul.u32 $0x66, v0;
	v4 =	vor.u32 $0x10, v0;
	v2 =	vadd.s32 $0x186A10, v1;
	s24 =	simm.s32 $0x1;
	s26 =	simm.s32 $0x2;
	[dreg:$0xe] =	wrdreg s0  }
.LBB2_1:
0x14: {  	[dreg:$0xf] =	wrdreg s1  }
0x15: {  	s0 =	rddreg [dreg:$0x7];
	s10 =	simm.s32 $0x1D080  }
0x16: {  	[tilespmem:s10], [sflag:$0x3] =	stream.linear.gather [hbm4b:s0+s3], $0x80, $0x38;
	[tilespmem:$0x1D220] =	vst v63  }
0x17: {  	_ =	swait.ge [sflag:s17], $0x80  }
0x18: {  	[sflag:s17] =	ssyncset.done $0x0  }
0x19: {  	s12 =	simm.s32 $0x1D100;
	s11 =	rddreg [dreg:$0x8];
	[sflag:s17] =	ssyncadd.s32 $0xFFFFFF80  }
0x1a: {  	[tilespmem:s12], [sflag:$0x3] =	stream.linear.gather [hbm4b:s11+s3], $0x80, $0x38;
	[tilespmem:$0x1D220] =	vst v63  }
0x1b: {  	_ =	swait.ge [sflag:s17], $0x80  }
0x1c: {  	[sflag:s17] =	ssyncset.done $0x0  }
0x1d: {  	s15 =	rddreg [dreg:$0x9];
	[sflag:s17] =	ssyncadd.s32 $0xFFFFFF80  }
0x1e: {  	[tilespmem:s19], [sflag:$0x3] =	stream.linear.gather [hbm4b:s15+s3], $0x200, $0x38;
	[tilespmem:$0x1D220] =	vst v63  }
0x1f: {  	_ =	swait.ge [sflag:s17], $0x200  }
0x20: {  	[sflag:s17] =	ssyncset.done $0x0  }
0x21: {  	s16 =	rddreg [dreg:$0xa];
	[sflag:s17] =	ssyncadd.s32 $0xFFFFFE00  }
0x22: {  	[tilespmem:s20], [sflag:$0x3] =	stream.linear.gather [hbm4b:s16+s3], $0x300, $0x38;
	[tilespmem:$0x1D220] =	vst v63  }
0x23: {  	_ =	swait.ge [sflag:s17], $0x300  }
0x24: {  	[sflag:s17] =	ssyncset.done $0x0  }
0x25: {  	s21 =	simm.s32 $0x180;
	s18 =	rddreg [dreg:$0xb];
	[sflag:s17] =	ssyncadd.s32 $0xFFFFFD00  }
0x26: {  	[tilespmem:s21], [sflag:$0x3] =	stream.linear.gather [hbm4b:s18+s3], $0x1000, $0x38;
	[tilespmem:$0x1D220] =	vst v63  }
0x27: {  	_ =	swait.ge [sflag:s17], $0x1000  }
0x28: {  	[sflag:s17] =	ssyncset.done $0x0  }
0x29: {  	s23 =	simm.s32 $0x1180;
	s22 =	rddreg [dreg:$0xc];
	[sflag:s17] =	ssyncadd.s32 $0xFFFFF000  }
0x2a: {  	[tilespmem:s23], [sflag:$0x3] =	stream.linear.gather [hbm4b:s22+s3], $0x800, $0x38;
	[tilespmem:$0x1D220] =	vst v63  }
0x2b: {  	_ =	swait.ge [sflag:s17], $0x800  }
0x2c: {  	[sflag:s17] =	ssyncset.done $0x0  }
0x2d: {  	s31 =	simm.s32 $0x1980;
	s30 =	rddreg [dreg:$0xd];
	[sflag:s17] =	ssyncadd.s32 $0xFFFFF800  }
0x2e: {  	[tilespmem:s31], [sflag:$0x3] =	stream.linear.gather [hbm4b:s30+s3], $0x800, $0x38;
	[tilespmem:$0x1D220] =	vst v63  }
0x2f: {  	_ =	swait.ge [sflag:s17], $0x800  }
0x30: {  	[sflag:s17] =	ssyncset.done $0x0  }
0x31: {  	[sflag:s17] =	ssyncadd.s32 $0xFFFFF800  }
0x32: {  	v5 =	vld [tilespmem:$0x1180]  }
0x33: {  	v6 =	vld [tilespmem:$0x1D080]  }
0x34: {  	v7 =	vld [tilespmem:$0x1190]  }
0x35: {  	v8 =	vld [tilespmem:$0x1D100]  }
0x36: {  	v9 =	vld [tilespmem:$0x180]  }
0x37: {  	v10 =	vld [tilespmem:$0x190];
	v5 =	vmax.f32 v5, $9.999999970e-07  }
0x38: {  	v13 =	vld [tilespmem:$0x1980];
	v5 =	vmin.f32 v5, $9.999989860e-01  }
0x39: {  	v16 =	vld [tilespmem:$0x1990];
	v12 =	vmul.f32 $1.000000000e+02, v5;
	v5 =	vmax.f32 v7, $9.999999970e-07  }
0x3a: {  	v7 =	vld [tilespmem:$0x1B0];
	v15 =	vmin.f32 v5, $9.999989860e-01  }
0x3b: {  	v11 =	vld [tilespmem:$0x1A0];
	v15 =	vmul.f32 $1.000000000e+02, v15  }
0x3c: {  	v5 =	vadd.s32 v1, v6;
	v14 =	vtrunc.f32 v12  }
0x3d: {  	[tilespmem:$0x60] =	vst v13;
	v6 =	vadd.s32 v2, v6;
	v14 =	vcvt.f32.s32 v14;
	v17 =	vtrunc.f32 v15  }
0x3e: {  	[tilespmem:$0x70] =	vst v16;
	v9 =	vadd.s32 v9, v5;
	v55 =	vadd.s32 v10, v6;
	v58 =	vcvt.f32.s32 v17  }
0x3f: {  	[tilespmem:$0x0] =	vst v9;
	v59 =	vadd.s32 v7, v6;
	v7 =	vadd.s32 v3, v8;
	v8 =	vcvt.s32.f32 v14  }
0x40: {  	v57 =	vadd.s32 v11, v5;
	[tilespmem:$0x10] =	vst v55;
	v61 =	vadd.s32 $0x1, v58  }
0x41: {  	[tilespmem:$0x20] =	vst v57;
	v56 =	vadd.s32 $0x1, v14;
	v8 =	vsub.f32 v12, v8;
	v62 =	vmul.u32 v16, v61  }
0x42: {  	v10 =	vmul.u32 v13, v56;
	[tilespmem:$0x30] =	vst v59;
	v63 =	vcvt.s32.f32 v58  }
0x43: {  	[tilespmem:$0x80] =	vst v8;
	v8 =	vadd.s32 v62, v7  }
0x44: {  	v60 =	vadd.s32 v10, v7;
	[tilespmem:$0x50] =	vst v8;
	v8 =	vsub.f32 v15, v63  }
0x45: {  	[tilespmem:$0x40] =	vst v60  }
0x46: {  	[tilespmem:$0x90] =	vst v8  }
0x47: {  	[spmem:s13] =	stream.linear.scatter [tilespmem:s3], [sflag:$0x3], $0xA0, $0x38;
	[tilespmem:$0x1D220] =	vst v63  }
0x48: {  	_ =	swait.ge [sflag:s17], $0xA0  }
0x49: {  	[sflag:s17] =	ssyncset.done $0x0  }
0x4a: {  	[sflag:s17] =	ssyncadd.s32 $0xFFFFFF60  }
0x4b: {  	[smem:s3], [sflag:$0x3] =	stream.linear.gather [spmem:s13], $0xA0, $0x38;
	[tilespmem:$0x1D220] =	vst v63  }
0x4c: {  	_ =	swait.ge [sflag:s17], $0xA0  }
0x4d: {  	[sflag:s17] =	ssyncset.done $0x0  }
0x4e: {  	s16 =	simm.s32 $0x0;
	[sflag:s17] =	ssyncadd.s32 $0xFFFFFF60  }
.LBB2_2:
0x4f: {  	s0 =	sand.u32 $0x1, s16  }
0x50: {  	s1 =	simm.s32 $0xA0;
	p0 =	seq.s32 s0, $0x1  }
0x51: {  	s30 =	simm.s32 $0x0;
	s1 =	simm.s32 @!p0 $0x0  }
0x52: {  	s5 =	sld [smem:s1+s30];
	_ =	sdelay $0x2  }
0x53: {  	s0 =	sand.u32 $0x7, s5  }
0x54: {  	s4 =	sshra.s32 s5, $0x1F;
	p6 =	slt.s32 s5, $0x1;
	p1 =	sne.s32 s0, $0x0  }
0x55: {  	s31 =	sshrl.u32 s4, $0x1D;
	p0 =	por !p6, !p1  }
0x56: {  	s8 =	simm.s32 $0x1;
	s4 =	sadd.s32 s31, s5;
	p0 =	por !p0, !p0  }
0x57: {  	s10 =	simm.s32 $0x7;
	s9 =	sshrl.u32 s4, $0x3;
	s8 =	simm.s32 @!p0 $0x0  }
0x58: {  	s0 =	simm.s32 $0x1000;
	p1 =	slt.s32 s5, $0x27AC50;
	s9 =	ssub.s32 s9, s8  }
0x59: {  	s4 =	simm.s32 $0x2000;
	p0 =	por $0x0, $0x0;
	s9 =	sshll.u32 s9, $0x7  }
0x5a: {  	s8 =	simm.s32 $0x1;
	s10 =	simm.s32 @!p0 $0x1;
	s11 =	sand.u32 $0x1FFFFF80, s9  }
0x5b: {  	s8 =	simm.s32 @p0 $0x0;
	s9 =	sadd.s32 $0x0, s10;
	s11 =	simm.s32 @!p1 $0x0  }
0x5c: {  	s10 =	simm.s32 $0x2180;
	s5 =	sld [smem:s1+s9];
	s11 =	sadd.s32 s6, s11  }
.LBB2_3:
0x5d: {  	[tilespmem:s10], [sflag:$0x1] =	stream.linear.gather [hbm4b:s11+s3], $0x400, $0x38;
	[tilespmem:$0x1D220] =	vst v63  }
0x5e: {  	s12 =	smov.u32 s4  }
0x5f: {  	p0 =	seq.s32 s4, $0x33000;
	s10 =	sshra.s32 s5, $0x1F;
	s11 =	sand.u32 $0x7, s5  }
0x60: {  	p1 =	slt.s32 s5, $0x1;
	s10 =	sshrl.u32 s10, $0x1D;
	p2 =	sne.s32 s11, $0x0  }
0x61: {  	s4 =	sadd.s32 $0x1000, s4;
	s10 =	sadd.s32 s10, s5;
	p1 =	por !p1, !p2  }
0x62: {  	s11 =	simm.s32 $0x1;
	p1 =	por !p1, !p1;
	s10 =	sshrl.u32 s10, $0x3  }
0x63: {  	s11 =	simm.s32 @!p1 $0x0;
	p1 =	seq.s32 s8, $0x19;
	s8 =	sadd.s32 $0x1, s8  }
.Ltmp0:
0x64: {  	s10 =	ssub.s32 s10, s11;
	s11 =	simm.s32 $0x7;
	(pc) =	sbr.rel @!p0 .LBB2_3-.Ltmp0, $4  }
0x65: {  	s8 =	simm.s32 @p1 $0x0;
	s10 =	sshll.u32 s10, $0x7;
	s11 =	simm.s32 @!p1 $0x1  }
0x66: {  	p1 =	slt.s32 s5, $0x27AC50;
	s15 =	sand.u32 $0x1FFFFF80, s10;
	s9 =	sadd.s32 s9, s11  }
0x67: {  	s0 =	sshra.s32 s0, $0x2;
	s5 =	sld [smem:s1+s9];
	s15 =	simm.s32 @!p1 $0x0  }
0x68: {  	s10 =	sadd.s32 $0x2180, s0;
	s0 =	smov.u32 s12;
	s11 =	sadd.s32 s6, s15  }
0x69: {  	[tilespmem:s10], [sflag:$0x1] =	stream.linear.gather [hbm4b:s11+s3], $0x400, $0x38;
	[tilespmem:$0x1D220] =	vst v63  }
0x6a: {  	s4 =	sand.u32 $0x7, s5  }
0x6b: {  	s8 =	sshra.s32 s5, $0x1F;
	p0 =	slt.s32 s5, $0x1;
	p1 =	sne.s32 s4, $0x0  }
0x6c: {  	s18 =	sshrl.u32 s8, $0x1D;
	p0 =	por !p0, !p1  }
0x6d: {  	s8 =	simm.s32 $0x1;
	s4 =	sadd.s32 s18, s5;
	p0 =	por !p0, !p0  }
0x6e: {  	s4 =	sshrl.u32 s4, $0x3;
	s8 =	simm.s32 @!p0 $0x0  }
0x6f: {  	s4 =	ssub.s32 s4, s8  }
0x70: {  	s31 =	sadd.s32 $0x40, s1;
	s4 =	sshll.u32 s4, $0x7  }
0x71: {  	s21 =	simm.s32 $0x0;
	p0 =	slt.s32 s5, $0x27AC50;
	s4 =	sand.u32 $0x1FFFFF80, s4  }
0x72: {  	s0 =	sshra.s32 s0, $0x2;
	s22 =	sld [smem:s31+s21];
	s4 =	simm.s32 @!p0 $0x0  }
0x73: {  	s0 =	sadd.s32 $0x2180, s0;
	s4 =	sadd.s32 s6, s4  }
0x74: {  	[tilespmem:s0], [sflag:$0x1] =	stream.linear.gather [hbm4b:s4+s3], $0x400, $0x38;
	[tilespmem:$0x1D220] =	vst v63  }
0x75: {  	s0 =	sand.u32 $0x7, s22  }
0x76: {  	s23 =	sshra.s32 s22, $0x1F;
	p5 =	slt.s32 s22, $0x1;
	p6 =	sne.s32 s0, $0x0  }
0x77: {  	s30 =	sshrl.u32 s23, $0x1D;
	p0 =	por !p5, !p6  }
0x78: {  	s8 =	simm.s32 $0x1;
	s4 =	sadd.s32 s30, s22;
	p0 =	por !p0, !p0  }
0x79: {  	s10 =	simm.s32 $0x4;
	s9 =	sshrl.u32 s4, $0x3;
	s8 =	simm.s32 @!p0 $0x0  }
0x7a: {  	p1 =	slt.s32 s22, $0x518;
	s0 =	simm.s32 $0x2000;
	s9 =	ssub.s32 s9, s8  }
0x7b: {  	s4 =	simm.s32 $0x4000;
	p0 =	por $0x0, $0x0;
	s9 =	sshll.u32 s9, $0x7  }
0x7c: {  	s8 =	simm.s32 $0x1;
	s10 =	simm.s32 @!p0 $0x1;
	s11 =	sand.u32 $0x1FFFFF80, s9  }
0x7d: {  	s8 =	simm.s32 @p0 $0x0;
	s9 =	sadd.s32 $0x0, s10;
	s11 =	simm.s32 @!p1 $0x0  }
0x7e: {  	s10 =	simm.s32 $0xF180;
	s5 =	sld [smem:s31+s9];
	s11 =	sadd.s32 s7, s11  }
.LBB2_5:
0x7f: {  	[tilespmem:s10], [sflag:$0x2] =	stream.linear.gather [hbm4b:s11+s3], $0x800, $0x38;
	[tilespmem:$0x1D220] =	vst v63  }
0x80: {  	s12 =	smov.u32 s4  }
0x81: {  	p0 =	sne.s32 s4, $0x32000;
	s10 =	sshra.s32 s5, $0x1F;
	s11 =	sand.u32 $0x7, s5  }
0x82: {  	p1 =	slt.s32 s5, $0x1;
	s10 =	sshrl.u32 s10, $0x1D;
	p2 =	sne.s32 s11, $0x0  }
0x83: {  	s4 =	sadd.s32 $0x2000, s4;
	s10 =	sadd.s32 s10, s5;
	p1 =	por !p1, !p2  }
0x84: {  	s11 =	simm.s32 $0x1;
	p1 =	por !p1, !p1;
	s10 =	sshrl.u32 s10, $0x3  }
0x85: {  	s11 =	simm.s32 @!p1 $0x0;
	p1 =	seq.s32 s8, $0xC;
	s8 =	sadd.s32 $0x1, s8  }
.Ltmp1:
0x86: {  	s10 =	ssub.s32 s10, s11;
	s11 =	simm.s32 $0x4;
	(pc) =	sbr.rel @p0 .LBB2_5-.Ltmp1, $4  }
0x87: {  	s8 =	simm.s32 @p1 $0x0;
	s10 =	sshll.u32 s10, $0x7;
	s11 =	simm.s32 @!p1 $0x1  }
0x88: {  	p1 =	slt.s32 s5, $0x518;
	s15 =	sand.u32 $0x1FFFFF80, s10;
	s9 =	sadd.s32 s9, s11  }
0x89: {  	s0 =	sshra.s32 s0, $0x2;
	s5 =	sld [smem:s31+s9];
	s15 =	simm.s32 @!p1 $0x0  }
0x8a: {  	s10 =	sadd.s32 $0xF180, s0;
	s0 =	smov.u32 s12;
	s11 =	sadd.s32 s7, s15  }
0x8b: {  	[tilespmem:s10], [sflag:$0x2] =	stream.linear.gather [hbm4b:s11+s3], $0x800, $0x38;
	[tilespmem:$0x1D220] =	vst v63  }
0x8c: {  	s4 =	sand.u32 $0x7, s5  }
0x8d: {  	s8 =	sshra.s32 s5, $0x1F;
	p0 =	slt.s32 s5, $0x1;
	p1 =	sne.s32 s4, $0x0  }
0x8e: {  	s12 =	sshrl.u32 s8, $0x1D;
	p0 =	por !p0, !p1  }
0x8f: {  	s8 =	simm.s32 $0x1;
	s4 =	sadd.s32 s12, s5;
	p0 =	por !p0, !p0  }
0x90: {  	s4 =	sshrl.u32 s4, $0x3;
	s8 =	simm.s32 @!p0 $0x0  }
0x91: {  	s4 =	ssub.s32 s4, s8  }
0x92: {  	s4 =	sshll.u32 s4, $0x7  }
0x93: {  	p0 =	slt.s32 s5, $0x518;
	s4 =	sand.u32 $0x1FFFFF80, s4  }
0x94: {  	s0 =	sshra.s32 s0, $0x2;
	s4 =	simm.s32 @!p0 $0x0  }
0x95: {  	s0 =	sadd.s32 $0xF180, s0;
	s4 =	sadd.s32 s7, s4  }
0x96: {  	[tilespmem:s0], [sflag:$0x2] =	stream.linear.gather [hbm4b:s4+s3], $0x800, $0x38;
	[tilespmem:$0x1D220] =	vst v63  }
0x97: {  	p0 =	seq.s32 s16, $0x3F;
	s0 =	sadd.s32 $0x1, s16  }
0x98: {  	s4 =	sshll.u32 @!p0 s0, $0x6  }
0x99: {  	s4 =	sand.u32 @!p0 $0x3FFFFFC0, s4  }
0x9a: {  	v8 =	vld @!p0 [tilespmem:s4+$0x180];
	_ =	sdelay $0x1  }
0x9b: {  	s5 =	sand.u32 @!p0 $0x1, s0  }
0x9c: {  	p1 =	seq.s32 @!p0 s5, $0x1  }
0x9d: {  	s5 =	simm.s32 @!p0 $0xA0;
	p1 =	por !p1, p0  }
0x9e: {  	s5 =	simm.s32 @p1 $0x0;
	v8 =	vadd.s32 @!p0 v8, v5  }
0x9f: {  	[tilespmem:s5+$0x0] =	vst @!p0 v8  }
0xa0: {  	v8 =	vld @!p0 [tilespmem:s4+$0x190];
	_ =	sdelay $0x4  }
0xa1: {  	v8 =	vadd.s32 @!p0 v8, v6  }
0xa2: {  	[tilespmem:s5+$0x10] =	vst @!p0 v8  }
0xa3: {  	v8 =	vld @!p0 [tilespmem:s4+$0x1A0];
	_ =	sdelay $0x4  }
0xa4: {  	v8 =	vadd.s32 @!p0 v8, v5  }
0xa5: {  	[tilespmem:s5+$0x20] =	vst @!p0 v8  }
0xa6: {  	v8 =	vld @!p0 [tilespmem:s4+$0x1B0];
	_ =	sdelay $0x4  }
0xa7: {  	v8 =	vadd.s32 @!p0 v8, v6  }
0xa8: {  	s4 =	sshll.u32 @!p0 s0, $0x5;
	[tilespmem:s5+$0x30] =	vst @!p0 v8  }
0xa9: {  	v8 =	vld @!p0 [tilespmem:s4+$0x1180];
	_ =	sdelay $0x4  }
0xaa: {  	v8 =	vmax.f32 @!p0 v8, $9.999999970e-07  }
0xab: {  	v8 =	vmin.f32 @!p0 v8, $9.999989860e-01  }
0xac: {  	v8 =	vmul.f32 @!p0 $1.000000000e+02, v8  }
0xad: {  	v9 =	vld @!p0 [tilespmem:s4+$0x1980]  }
0xae: {  	v10 =	vtrunc.f32 @!p0 v8  }
0xaf: {  	v10 =	vcvt.f32.s32 @!p0 v10;
	_ =	sdelay $0x1  }
0xb0: {  	v11 =	vadd.s32 @!p0 $0x1, v10  }
0xb1: {  	v10 =	vcvt.s32.f32 @!p0 v10;
	v11 =	vmul.u32 @!p0 v9, v11;
	_ =	sdelay $0x1  }
0xb2: {  	[tilespmem:s5+$0x60] =	vst @!p0 v9;
	v8 =	vsub.f32 @!p0 v8, v10;
	v11 =	vadd.s32 @!p0 v11, v7  }
0xb3: {  	[tilespmem:s5+$0x40] =	vst @!p0 v11  }
0xb4: {  	[tilespmem:s5+$0x80] =	vst @!p0 v8  }
0xb5: {  	v8 =	vld @!p0 [tilespmem:s4+$0x1190];
	_ =	sdelay $0x4  }
0xb6: {  	v8 =	vmax.f32 @!p0 v8, $9.999999970e-07  }
0xb7: {  	v8 =	vmin.f32 @!p0 v8, $9.999989860e-01  }
0xb8: {  	v8 =	vmul.f32 @!p0 $1.000000000e+02, v8  }
0xb9: {  	v9 =	vld @!p0 [tilespmem:s4+$0x1990]  }
0xba: {  	v10 =	vtrunc.f32 @!p0 v8  }
0xbb: {  	v10 =	vcvt.f32.s32 @!p0 v10;
	_ =	sdelay $0x1  }
0xbc: {  	v11 =	vadd.s32 @!p0 $0x1, v10  }
0xbd: {  	v10 =	vcvt.s32.f32 @!p0 v10;
	v11 =	vmul.u32 @!p0 v9, v11;
	_ =	sdelay $0x1  }
0xbe: {  	[tilespmem:s5+$0x70] =	vst @!p0 v9;
	v8 =	vsub.f32 @!p0 v8, v10;
	v11 =	vadd.s32 @!p0 v11, v7  }
0xbf: {  	[tilespmem:s5+$0x50] =	vst @!p0 v11  }
0xc0: {  	s4 =	simm.s32 @!p0 $0x3;
	[tilespmem:s5+$0x90] =	vst @!p0 v8  }
0xc1: {  	[spmem:s13] =	stream.linear.scatter @!p0 [tilespmem:s5], [sflag:$0x3], $0xA0, $0x38;
	[tilespmem:$0x1D220] =	vst v63  }
0xc2: {  	_ =	swait.ge @!p0 [sflag:s4], $0xA0  }
0xc3: {  	[sflag:s4] =	ssyncset.done @!p0 $0x0  }
0xc4: {  	[sflag:s4] =	ssyncadd.s32 @!p0 $0xFFFFFF60  }
0xc5: {  	[smem:s5], [sflag:$0x3] =	stream.linear.gather @!p0 [spmem:s13], $0xA0, $0x38;
	[tilespmem:$0x1D220] =	vst v63  }
0xc6: {  	_ =	swait.ge @!p0 [sflag:s4], $0xA0  }
0xc7: {  	[sflag:s4] =	ssyncset.done @!p0 $0x0  }
0xc8: {  	[sflag:s4] =	ssyncadd.s32 @!p0 $0xFFFFFF60  }
0xc9: {  	_ =	swait.ge [sflag:s24], $0xD000  }
0xca: {  	[sflag:s24] =	ssyncset.done $0x0  }
0xcb: {  	s4 =	simm.s32 $0x0;
	[sflag:s24] =	ssyncadd.s32 $0xFFFF3000  }
0xcc: {  	s9 =	sld [smem:s1+s4];
	_ =	sdelay $0x2  }
0xcd: {  	s15 =	sand.u32 $0x7, s9;
	s8 =	sadd.s32 $0xFFD853B0, s9  }
0xce: {  	s18 =	simm.s32 $0x0;
	p0 =	sgt.s32 s8, $0x0;
	s5 =	sshll.u32 s15, $0x7  }
0xcf: {  	s8 =	simm.s32 @!p0 $0x0;
	s10 =	sor.u32 s18, s5  }
0xd0: {  	s21 =	sshll.u32 s8, $0x5;
	v8 =	vor.u32 s10, v0  }
0xd1: {  	v9 =	vor.u32 s21, v0  }
0xd2: {  	p1 =	por $0x0, $0x0;
	s5 =	simm.s32 $0x7  }
0xd3: {  	s5 =	simm.s32 @!p1 $0x1  }
0xd4: {  	s8 =	sadd.s32 $0x0, s5  }
0xd5: {  	s5 =	sld [smem:s1+s8];
	v8 =	vld.idx.msk [tilespmem:v8+s25+$0x0], $0xffff  }
0xd6: {  	v9 =	vld.idx.msk [tilespmem:v9+s19+$0x0], $0xffff;
	_ =	sdelay $0x1  }
0xd7: {  	v10 =	vor.u32 s10, v4;
	s11 =	sor.u32 $0x10, s21;
	s12 =	sadd.s32 $0xFFD853B0, s5  }
0xd8: {  	v11 =	vor.u32 s11, v0;
	p0 =	sgt.s32 s12, $0x0  }
0xd9: {  	s12 =	simm.s32 @!p0 $0x0;
	p0 =	slt.s32 s9, $0x27AC50  }
0xda: {  	v8 =	vpsel p0, v8, v9  }
0xdb: {  	[tilespmem:s4+$0x1C680] =	vst v8  }
0xdc: {  	s22 =	sshll.u32 s16, $0x1;
	s23 =	sand.u32 $0x7, s5;
	v8 =	vld.idx.msk [tilespmem:v10+s25+$0x0], $0xffff  }
0xdd: {  	s30 =	simm.s32 $0x400;
	s16 =	sadd.s32 s14, s22;
	s9 =	sshll.u32 s23, $0x7;
	v9 =	vld.idx.msk [tilespmem:v11+s19+$0x0], $0xffff  }
0xde: {  	s18 =	simm.s32 $0x1;
	s11 =	simm.s32 $0x1C0;
	s10 =	sor.u32 s30, s9  }
0xdf: {  	s18 =	simm.s32 @p1 $0x0;
	s11 =	simm.s32 @!p1 $0x20;
	s12 =	sshll.u32 s12, $0x5;
	v10 =	vor.u32 s10, v0  }
0xe0: {  	s21 =	simm.s32 $0x2;
	s9 =	sadd.s32 $0x0, s11;
	s11 =	sor.u32 $0x10, s12;
	v11 =	vor.u32 s12, v0  }
.LBB2_7:
0xe1: {  	_ = 	snop  }
0xe2: {  	p1 =	sne.s32 s21, $0x33;
	v8 =	vpsel p0, v8, v9;
	s12 =	smov.u32 s21;
	s21 =	sadd.s32 $0x1, s21  }
0xe3: {  	[tilespmem:s4+$0x1C690] =	vst v8;
	s4 =	smov.u32 s9  }
0xe4: {  	v8 =	vld.idx.msk [tilespmem:v10+s25+$0x0], $0xffff  }
0xe5: {  	v9 =	vld.idx.msk [tilespmem:v11+s19+$0x0], $0xffff;
	_ =	sdelay $0x2  }
0xe6: {  	p2 =	seq.s32 s18, $0x19;
	v10 =	vor.u32 s10, v4;
	s10 =	simm.s32 $0x7;
	v11 =	vor.u32 s11, v0;
	s11 =	simm.s32 $0x1C0  }
0xe7: {  	s18 =	sadd.s32 $0x1, s18;
	s10 =	simm.s32 @!p2 $0x1;
	s11 =	simm.s32 @!p2 $0x20  }
0xe8: {  	p0 =	slt.s32 s5, $0x27AC50;
	s8 =	sadd.s32 s8, s10;
	s9 =	sadd.s32 s11, s9  }
0xe9: {  	s18 =	simm.s32 @p2 $0x0;
	v8 =	vpsel p0, v8, v9;
	s5 =	sld [smem:s1+s8]  }
0xea: {  	[tilespmem:s4+$0x1C680] =	vst v8  }
0xeb: {  	s12 =	sshll.u32 s12, $0xA;
	v8 =	vld.idx.msk [tilespmem:v10+s25+$0x0], $0xffff  }
.Ltmp2:
0xec: {  	s10 =	sand.u32 $0x7, s5;
	s11 =	sadd.s32 $0xFFD853B0, s5;
	v9 =	vld.idx.msk [tilespmem:v11+s19+$0x0], $0xffff;
	(pc) =	sbr.rel @p1 .LBB2_7-.Ltmp2, $4  }
0xed: {  	p2 =	sgt.s32 s11, $0x0;
	s10 =	sshll.u32 s10, $0x7  }
0xee: {  	s11 =	simm.s32 @!p2 $0x0;
	s10 =	sor.u32 s12, s10  }
0xef: {  	s11 =	sshll.u32 s11, $0x5;
	v10 =	vor.u32 s10, v0  }
0xf0: {  	v11 =	vor.u32 s11, v0;
	s11 =	sor.u32 $0x10, s11  }
0xf1: {  	_ =	sdelay $0x1  }
0xf2: {  	v8 =	vpsel p0, v8, v9  }
0xf3: {  	[tilespmem:s4+$0x1C690] =	vst v8  }
0xf4: {  	v8 =	vld.idx.msk [tilespmem:v10+s25+$0x0], $0xffff  }
0xf5: {  	v9 =	vld.idx.msk [tilespmem:v11+s19+$0x0], $0xffff;
	_ =	sdelay $0x1  }
0xf6: {  	v10 =	vor.u32 s10, v4  }
0xf7: {  	v11 =	vor.u32 s11, v0  }
0xf8: {  	p3 =	slt.s32 s5, $0x27AC50  }
0xf9: {  	v8 =	vpsel p3, v8, v9  }
0xfa: {  	[tilespmem:s9+$0x1C680] =	vst v8  }
0xfb: {  	v8 =	vld.idx.msk [tilespmem:v10+s25+$0x0], $0xffff  }
0xfc: {  	v9 =	vld.idx.msk [tilespmem:v11+s19+$0x0], $0xffff;
	_ =	sdelay $0x4  }
0xfd: {  	v8 =	vpsel p3, v8, v9  }
0xfe: {  	[tilespmem:s9+$0x1C690] =	vst v8  }
0xff: {  	_ =	swait.ge [sflag:s26], $0xD000  }
0x100: {  	[sflag:s26] =	ssyncset.done $0x0  }
0x101: {  	s15 =	simm.s32 $0x0;
	[sflag:s26] =	ssyncadd.s32 $0xFFFF3000  }
0x102: {  	s18 =	sld [smem:s31+s15];
	_ =	sdelay $0x2  }
0x103: {  	s8 =	sadd.s32 $0x60, s1;
	s10 =	simm.s32 $0x1;
	s21 =	sand.u32 $0x7, s18  }
0x104: {  	s22 =	sshra.s32 s18, $0x1F;
	p4 =	slt.s32 s18, $0x1;
	p1 =	sne.s32 s21, $0x0  }
0x105: {  	[dreg:$0x4] =	wrdreg s8;
	s9 =	sshrl.u32 s22, $0x1D;
	p0 =	por !p4, !p1  }
0x106: {  	s23 =	rddreg [dreg:$0x4];
	s9 =	sadd.s32 s9, s18;
	p0 =	por !p0, !p0  }
0x107: {  	s8 =	sld [smem:s23+s15];
	s9 =	sshrl.u32 s9, $0x3;
	s10 =	simm.s32 @!p0 $0x0  }
0x108: {  	s9 =	ssub.s32 s10, s9  }
0x109: {  	p0 =	slt.s32 s18, $0x518;
	s10 =	sadd.s32 $0xFFFFFAE8, s18;
	s9 =	sshll.u32 s9, $0x3  }
0x10a: {  	s11 =	sadd.s32 s8, s10;
	p1 =	sgt.s32 s10, $0x0;
	s9 =	simm.s32 @!p0 $0x0  }
0x10b: {  	p2 =	sgt.s32 s11, $0x0;
	s10 =	simm.s32 @!p1 $0x0;
	s5 =	sadd.s32 s18, s9  }
0x10c: {  	s11 =	simm.s32 @!p2 $0x0;
	s8 =	sadd.s32 s8, s5;
	p2 =	slt.s32 s5, $0xF  }
0x10d: {  	s10 =	sshll.u32 s10, $0x5;
	p1 =	slt.s32 s8, $0xF;
	s5 =	simm.s32 @!p2 $0xF  }
0x10e: {  	s30 =	sshll.u32 s11, $0x5;
	v9 =	vor.u32 s10, v0;
	s8 =	simm.s32 @!p1 $0xF;
	s5 =	sshll.u32 s5, $0x7  }
0x10f: {  	v8 =	vor.u32 s30, v0;
	s8 =	sshll.u32 s8, $0x7;
	s5 =	sadd.s32 $0x0, s5  }
0x110: {  	s8 =	sadd.s32 $0x0, s8;
	v11 =	vor.u32 s5, v0  }
0x111: {  	v10 =	vor.u32 s8, v0;
	_ =	sdelay $0x1  }
0x112: {  	v9 =	vld.idx.msk [tilespmem:v9+s20+$0x0], $0xffff  }
0x113: {  	v8 =	vld.idx.msk [tilespmem:v8+s20+$0x0], $0xffff  }
0x114: {  	v11 =	vld.idx.msk [tilespmem:v11+s28+$0x0], $0xffff  }
0x115: {  	v10 =	vld.idx.msk [tilespmem:v10+s28+$0x0], $0xffff;
	_ =	sdelay $0x1  }
0x116: {  	s12 =	sadd.s32 $0x80, s1  }
0x117: {  	[dreg:$0x5] =	wrdreg s12  }
0x118: {  	s1 =	rddreg [dreg:$0x5];
	p0 =	por p0, p0  }
0x119: {  	s4 =	sld [smem:s1+s15];
	s1 =	simm.s32 $0x4;
	p1 =	por $0x0, $0x0;
	v9 =	vpsel p0, v11, v9;
	v8 =	vpsel p0, v10, v8  }
0x11a: {  	s1 =	simm.s32 @!p1 $0x1;
	v8 =	vsub.f32 v8, v9  }
0x11b: {  	s12 =	rddreg [dreg:$0x4];
	s9 =	sor.u32 $0x10, s30;
	s1 =	sadd.s32 $0x0, s1  }
0x11c: {  	s23 =	simm.s32 $0x800;
	v10 =	vor.u32 s9, v0;
	s9 =	sld [smem:s31+s1];
	v8 =	vmul.f32 s4, v8  }
0x11d: {  	s22 =	simm.s32 $0x1;
	s18 =	simm.s32 $0x340;
	s11 =	rddreg [dreg:$0x6];
	v11 =	vor.u32 s5, v4  }
0x11e: {  	s10 =	sor.u32 $0x10, s10;
	s11 =	simm.s32 @!p1 $0x20;
	s22 =	simm.s32 @p1 $0x0;
	v12 =	vor.u32 s8, v4;
	v8 =	vadd.f32 v8, v9  }
0x11f: {  	s8 =	sld [smem:s12+s1];
	s5 =	simm.s32 $0x2;
	s15 =	sand.u32 $0x7, s9;
	v9 =	vor.u32 s10, v0  }
0x120: {  	s21 =	sshra.s32 s9, $0x1F;
	p5 =	slt.s32 s9, $0x1;
	p6 =	sne.s32 s15, $0x0;
	[tilespmem:s18+$0x1C680] =	vst v8  }
0x121: {  	s12 =	sshrl.u32 s21, $0x1D;
	s15 =	simm.s32 $0x1;
	p1 =	por !p5, !p6;
	v8 =	vld.idx.msk [tilespmem:v10+s20+$0x0], $0xffff  }
0x122: {  	s10 =	sadd.s32 $0xFFFFFAE8, s9;
	s12 =	sadd.s32 s12, s9;
	p1 =	por !p1, !p1;
	v10 =	vld.idx.msk [tilespmem:v11+s28+$0x0], $0xffff  }
0x123: {  	s30 =	sadd.s32 s8, s10;
	s12 =	sshrl.u32 s12, $0x3;
	s15 =	simm.s32 @!p1 $0x0;
	v11 =	vld.idx.msk [tilespmem:v12+s28+$0x0], $0xffff  }
0x124: {  	p2 =	sgt.s32 s10, $0x0;
	p1 =	sgt.s32 s30, $0x0;
	s12 =	ssub.s32 s15, s12;
	v9 =	vld.idx.msk [tilespmem:v9+s20+$0x0], $0xffff  }
0x125: {  	s30 =	simm.s32 @!p1 $0x0;
	p1 =	slt.s32 s9, $0x518;
	s12 =	sshll.u32 s12, $0x3  }
0x126: {  	s21 =	sadd.s32 $0x340, s11;
	s10 =	simm.s32 @!p2 $0x0;
	s12 =	simm.s32 @!p1 $0x0  }
0x127: {  	s11 =	sshll.u32 s10, $0x5;
	s30 =	sshll.u32 s30, $0x5;
	s10 =	sadd.s32 s9, s12  }
0x128: {  	s9 =	sor.u32 $0x10, s30;
	p2 =	slt.s32 s10, $0xF;
	s12 =	sadd.s32 s8, s10  }
0x129: {  	s8 =	sor.u32 $0x10, s11;
	s10 =	simm.s32 @!p2 $0xF;
	p2 =	slt.s32 s12, $0xF;
	v9 =	vpsel p0, v10, v9;
	v10 =	vpsel p0, v11, v8  }
0x12a: {  	s12 =	simm.s32 @!p2 $0xF;
	s15 =	sshll.u32 s10, $0x7;
	v8 =	vor.u32 s30, v0;
	p0 =	por p1, p1;
	v10 =	vsub.f32 v10, v9  }
.LBB2_9:
0x12b: {  	_ = 	snop  }
0x12c: {  	v10 =	vmul.f32 s4, v10  }
0x12d: {  	s12 =	sshll.u32 s12, $0x7;
	s15 =	sadd.s32 s23, s15;
	v11 =	vor.u32 s11, v0  }
0x12e: {  	s12 =	sadd.s32 s23, s12;
	v12 =	vor.u32 s15, v0;
	v9 =	vadd.f32 v10, v9  }
0x12f: {  	v13 =	vor.u32 s12, v0  }
0x130: {  	[tilespmem:s18+$0x1C690] =	vst v9  }
0x131: {  	v8 =	vld.idx.msk [tilespmem:v8+s20+$0x0], $0xffff  }
0x132: {  	v9 =	vld.idx.msk [tilespmem:v11+s20+$0x0], $0xffff  }
0x133: {  	v11 =	vld.idx.msk [tilespmem:v12+s28+$0x0], $0xffff  }
0x134: {  	v10 =	vld.idx.msk [tilespmem:v13+s28+$0x0], $0xffff;
	_ =	sdelay $0x3  }
0x135: {  	s4 =	rddreg [dreg:$0x5]  }
0x136: {  	p2 =	seq.s32 s22, $0xC;
	s4 =	sld [smem:s4+s1];
	v9 =	vpsel p0, v11, v9;
	v8 =	vpsel p0, v10, v8;
	v10 =	vor.u32 s9, v0;
	s9 =	simm.s32 $0x4  }
0x137: {  	s30 =	sshll.u32 s5, $0xB;
	s10 =	smov.u32 s5;
	v8 =	vsub.f32 v8, v9;
	s9 =	simm.s32 @!p2 $0x1  }
0x138: {  	p1 =	sne.s32 s5, $0x19;
	s11 =	rddreg [dreg:$0x6];
	s1 =	sadd.s32 s1, s9  }
0x139: {  	s22 =	sadd.s32 $0x1, s22;
	s10 =	sadd.s32 $0x1, s5;
	v8 =	vmul.f32 s4, v8;
	s5 =	sld [smem:s31+s1]  }
0x13a: {  	s23 =	smov.u32 s30;
	s11 =	simm.s32 @!p2 $0x20;
	s30 =	rddreg [dreg:$0x4];
	v11 =	vor.u32 s15, v4  }
0x13b: {  	v62 =	vor.u32 s8, v0;
	s22 =	simm.s32 @p2 $0x0;
	s18 =	smov.u32 s21;
	s21 =	sadd.s32 s11, s21;
	v8 =	vadd.f32 v8, v9  }
0x13c: {  	v9 =	vor.u32 s12, v4;
	s12 =	sld [smem:s30+s1];
	s15 =	sshra.s32 s5, $0x1F;
	s30 =	sand.u32 $0x7, s5  }
0x13d: {  	s11 =	sadd.s32 $0xFFFFFAE8, s5;
	p6 =	slt.s32 s5, $0x1;
	[tilespmem:s18+$0x1C680] =	vst v8;
	p3 =	sne.s32 s30, $0x0  }
0x13e: {  	s8 =	sshrl.u32 s15, $0x1D;
	s15 =	simm.s32 $0x1;
	v10 =	vld.idx.msk [tilespmem:v10+s20+$0x0], $0xffff;
	p2 =	por !p6, !p3  }
0x13f: {  	v11 =	vld.idx.msk [tilespmem:v11+s28+$0x0], $0xffff;
	s8 =	sadd.s32 s8, s5;
	s9 =	sadd.s32 s12, s11;
	p2 =	por !p2, !p2  }
0x140: {  	v12 =	vld.idx.msk [tilespmem:v62+s20+$0x0], $0xffff;
	p3 =	sgt.s32 s11, $0x0;
	s8 =	sshrl.u32 s8, $0x3;
	s15 =	simm.s32 @!p2 $0x0  }
0x141: {  	p4 =	sgt.s32 s9, $0x0;
	s11 =	simm.s32 @!p3 $0x0;
	v63 =	vld.idx.msk [tilespmem:v9+s28+$0x0], $0xffff;
	s8 =	ssub.s32 s15, s8  }
0x142: {  	s9 =	simm.s32 @!p4 $0x0;
	p2 =	slt.s32 s5, $0x518;
	s8 =	sshll.u32 s8, $0x3  }
.Ltmp3:
0x143: {  	s9 =	sshll.u32 s9, $0x5;
	s8 =	simm.s32 @!p2 $0x0;
	(pc) =	sbr.rel @p1 .LBB2_9-.Ltmp3, $4  }
0x144: {  	s11 =	sshll.u32 s11, $0x5;
	v8 =	vor.u32 s9, v0;
	s9 =	sor.u32 $0x10, s9;
	s5 =	sadd.s32 s5, s8  }
0x145: {  	s8 =	sor.u32 $0x10, s11;
	p3 =	slt.s32 s5, $0xF;
	s12 =	sadd.s32 s12, s5  }
0x146: {  	v9 =	vpsel p0, v11, v12;
	v10 =	vpsel p0, v63, v10;
	p0 =	por p2, p2;
	s5 =	simm.s32 @!p3 $0xF;
	p2 =	slt.s32 s12, $0xF  }
0x147: {  	v10 =	vsub.f32 v10, v9;
	s12 =	simm.s32 @!p2 $0xF;
	s15 =	sshll.u32 s5, $0x7;
	s5 =	smov.u32 s10  }
0x148: {  	_ = 	snop  }
0x149: {  	v10 =	vmul.f32 s4, v10  }
0x14a: {  	s5 =	sshll.u32 s12, $0x7;
	v11 =	vor.u32 s11, v0;
	s30 =	sadd.s32 s23, s15  }
0x14b: {  	s22 =	sadd.s32 s23, s5;
	v56 =	vor.u32 s30, v0;
	v9 =	vadd.f32 v10, v9  }
0x14c: {  	v12 =	vor.u32 s22, v0  }
0x14d: {  	[tilespmem:s18+$0x1C690] =	vst v9  }
0x14e: {  	v8 =	vld.idx.msk [tilespmem:v8+s20+$0x0], $0xffff  }
0x14f: {  	v9 =	vld.idx.msk [tilespmem:v11+s20+$0x0], $0xffff  }
0x150: {  	v10 =	vld.idx.msk [tilespmem:v56+s28+$0x0], $0xffff  }
0x151: {  	v57 =	vld.idx.msk [tilespmem:v12+s28+$0x0], $0xffff;
	_ =	sdelay $0x3  }
0x152: {  	s10 =	rddreg [dreg:$0x5]  }
0x153: {  	s1 =	sld [smem:s10+s1];
	v9 =	vpsel p0, v10, v9;
	v8 =	vpsel p0, v57, v8  }
0x154: {  	v8 =	vsub.f32 v8, v9;
	_ =	sdelay $0x1  }
0x155: {  	v58 =	vor.u32 s9, v0;
	v8 =	vmul.f32 s1, v8  }
0x156: {  	v59 =	vor.u32 s30, v4  }
0x157: {  	v60 =	vor.u32 s8, v0;
	v8 =	vadd.f32 v8, v9  }
0x158: {  	v61 =	vor.u32 s22, v4  }
0x159: {  	[tilespmem:s21+$0x1C680] =	vst v8  }
0x15a: {  	v8 =	vld.idx.msk [tilespmem:v58+s20+$0x0], $0xffff  }
0x15b: {  	v62 =	vld.idx.msk [tilespmem:v59+s28+$0x0], $0xffff  }
0x15c: {  	v9 =	vld.idx.msk [tilespmem:v60+s20+$0x0], $0xffff  }
0x15d: {  	v63 =	vld.idx.msk [tilespmem:v61+s28+$0x0], $0xffff;
	_ =	sdelay $0x4  }
0x15e: {  	v9 =	vpsel p0, v62, v9;
	v8 =	vpsel p0, v63, v8  }
0x15f: {  	v8 =	vsub.f32 v8, v9;
	_ =	sdelay $0x1  }
0x160: {  	v8 =	vmul.f32 s1, v8;
	_ =	sdelay $0x1  }
0x161: {  	s31 =	smul.u32 $0x9C, s16;
	v8 =	vadd.f32 v8, v9  }
0x162: {  	p0 =	sne.s32 s0, $0x40  }
.Ltmp4:
0x163: {  	s1 =	sadd.s32 s2, s31;
	[tilespmem:s21+$0x1C690] =	vst v8;
	(pc) =	sbr.rel @p0 .LBB2_2-.Ltmp4, $4  }
0x164: {  	[hbm4b:s1+s3] =	stream.linear.scatter [tilespmem:s29], [sflag:$0x3], $0x9C0, $0x38;
	[tilespmem:$0x1D220] =	vst v63  }
0x165: {  	_ =	swait.ge [sflag:s17], $0x9C0  }
0x166: {  	[sflag:s17] =	ssyncset.done $0x0  }
0x167: {  	s16 =	smov.u32 s0;
	[sflag:s17] =	ssyncadd.s32 $0xFFFFF640  }
0x168: {  	s1 =	rddreg [dreg:$0xf]  }
0x169: {  	s0 =	rddreg [dreg:$0xe];
	s1 =	sadd.s32 $0x1, s1  }
0x16a: {  	p0 =	sne.s32 s1, s0  }
.Ltmp5:
0x16b: {  	_ = 	snop;
	(pc) =	sbr.rel @p0 .LBB2_1-.Ltmp5, $1  }
0x16c: {  	_ =	sdelay $0x3  }
0x16d: {  	_ =	sfence.sel $0x180000  }
0x16e: {  	[bflag:$0x0] =	sbarrier.arrive $0xFFFF  }
0x16f: {  	_ =	strace $0x90000047  }
0x170: {  	s0 =	stileid.u32;
	[bflag:$0x2] =	sbarrier.arrive $0xFFFF  }
0x171: {  	p0 =	sne.s32 s0, $0x0;
	s0 =	rddreg [dreg:$0x3]  }
0x172: {  	s0 =	sadd.s32 @!p0 $0x100000, s0  }
0x173: {  	[sflag:s0] =	ssyncadd.tile.s32 @!p0 $0x1;
	_ =	shalt  }
.Lfunc_end2:
_tile_overlayer_lowered:
.L_overlay_start_2:
0x174: {  	(tag) =	ssettag $0x2  }
0x175: {  	s0 =	rddreg [dreg:$0x0];
	s2 =	stileid.u32  }
0x176: {  	s1 =	rddreg [dreg:$0x1];
	p0 =	sne.s32 s2, $0x0  }
0x177: {  	s3 =	rddreg [dreg:$0x2];
	[bflag:$0x3] =	sbarrier.arrive $0xFFFF;
	s2 =	simm.s32 @!p0 $0x1C03  }
0x178: {  	[timem:s3], [sflag:s2] =	dma.local @!p0 [hbm:s0], s1  }
0x179: {  	s0 =	simm.s32 @!p0 $0x3  }
0x17a: {  	_ =	swait.ge @!p0 [sflag:s0], s1  }
0x17b: {  	s1 =	ssub.s32 @!p0 $0x0, s1;
	[sflag:s0] =	ssyncset.done @!p0 $0x0  }
0x17c: {  	[sflag:s0] =	ssyncadd.s32 @!p0 s1  }
0x17d: {  	[bflag:$0x3] =	sbarrier.arrive $0xFFFF  }
0x17e: {  	_ =	shalt  }

</sc_bundles>
